<compile_context>
chip_gen: v7x
topology: tpu7x:2x2x1
jax: 0.10.2.dev20260603
libtpu: 0.0.44.dev20260713+nightly
codegen_flags: <defaults>
</compile_context>

<pallas_src>
import functools

import jax
import jax.numpy as jnp
from jax import lax
from jax.experimental import pallas as pl
from jax.experimental.pallas import tpu as pltpu
from jax.experimental.pallas import tpu_sc as plsc

N = 10000
E = 320000
D = 128
A = 8

NC = 2
NS = 16
NW = NC * NS
EPW = E // NW
CH = 80
NCHUNK = EPW // CH
NP = 10240
RPT = NP // NS
SR = 32

_BN_SCALE = (1.0 + 1e-5) ** -0.5

_sc_mesh = plsc.VectorSubcoreMesh(core_axis_name="c", subcore_axis_name="s")


@functools.partial(
    pl.kernel,
    out_type=jax.ShapeDtypeStruct((NW, NP), jnp.float32),
    mesh=_sc_mesh,
    scratch_types=[
        pltpu.VMEM((NP,), jnp.float32),
        pltpu.VMEM((EPW,), jnp.int32),
    ],
    compiler_params=pltpu.CompilerParams(needs_layout_passes=False),
)
def _sc_hist(row_hbm, out_hbm, hist, idxs):
    cid = lax.axis_index("c")
    sid = lax.axis_index("s")
    wid = sid * NC + cid
    zero16 = jnp.zeros((16,), jnp.float32)

    def zbody(k, carry):
        hist[pl.ds(k * 16, 16)] = zero16
        return carry

    lax.fori_loop(0, NP // 16, zbody, 0)
    pltpu.sync_copy(row_hbm.at[pl.ds(wid * EPW, EPW)], idxs)
    ones16 = jnp.ones((16,), jnp.float32)

    def body(k, carry):
        idxv = idxs[pl.ds(k * 16, 16)]
        plsc.addupdate_scatter(hist, [idxv], ones16)
        return carry

    lax.fori_loop(0, EPW // 16, body, 0)
    pltpu.sync_copy(hist, out_hbm.at[wid])


@functools.partial(
    pl.kernel,
    out_type=[jax.ShapeDtypeStruct((NP, D), jnp.float32),
              jax.ShapeDtypeStruct((NP, D), jnp.float32)],
    mesh=_sc_mesh,
    scratch_types=[
        pltpu.VMEM_SHARED((NP, D), jnp.float32),
        pltpu.VMEM((SR, D), jnp.float32),
        pltpu.VMEM((EPW,), jnp.int32),
        pltpu.VMEM((NCHUNK, CH), jnp.int32),
        pltpu.VMEM((CH, D), jnp.float32),
        pltpu.VMEM((CH, D), jnp.float32),
        pltpu.SemaphoreType.DMA,
        pltpu.SemaphoreType.DMA,
    ],
    compiler_params=pltpu.CompilerParams(use_tc_tiling_on_sc=False),
)
def _sc_agg(z_hbm, gidx_hbm, col_hbm, zeros_hbm, out0_hbm, out1_hbm,
            acc, stage, idxall, colall, rows0, rows1, sem0, sem1):
    cid = lax.axis_index("c")
    sid = lax.axis_index("s")
    wid = sid * NC + cid
    base = wid * EPW
    pltpu.sync_copy(zeros_hbm, stage)

    def zbody(t, carry):
        pltpu.sync_copy(stage, acc.at[pl.ds(sid * RPT + t * SR, SR)])
        return carry

    lax.fori_loop(0, RPT // SR, zbody, 0)
    pltpu.sync_copy(gidx_hbm.at[pl.ds(base, EPW)], idxall)
    pltpu.sync_copy(col_hbm.at[wid], colall)
    plsc.subcore_barrier()

    def gather(j, rows, sem):
        return pltpu.async_copy(z_hbm.at[idxall.at[pl.ds(j * CH, CH)]], rows, sem)

    def gwait(j, rows, sem):
        pltpu.make_async_copy(z_hbm.at[idxall.at[pl.ds(j * CH, CH)]], rows, sem).wait()

    def scatter(j, rows):
        pltpu.sync_copy(rows, acc.at[colall.at[j]], add=True)

    gather(0, rows0, sem0)

    def body(g, carry):
        j = 2 * g
        gather(j + 1, rows1, sem1)
        gwait(j, rows0, sem0)
        scatter(j, rows0)
        gather(j + 2, rows0, sem0)
        gwait(j + 1, rows1, sem1)
        scatter(j + 1, rows1)
        return carry

    lax.fori_loop(0, (NCHUNK - 1) // 2, body, 0)
    gwait(NCHUNK - 1, rows0, sem0)
    scatter(NCHUNK - 1, rows0)
    plsc.subcore_barrier()

    def wbody(t, carry):
        pltpu.sync_copy(acc.at[pl.ds(sid * RPT + t * SR, SR)], stage)

        @pl.when(cid == 0)
        def _():
            pltpu.sync_copy(stage, out0_hbm.at[pl.ds(sid * RPT + t * SR, SR)])

        @pl.when(cid == 1)
        def _():
            pltpu.sync_copy(stage, out1_hbm.at[pl.ds(sid * RPT + t * SR, SR)])

        return carry

    lax.fori_loop(0, RPT // SR, wbody, 0)


_BR = 1000
_BR2 = 1000


def _deg_dis_inv(hist_blk):
    deg = jnp.sum(hist_blk, axis=1) + 1.0
    return deg, lax.rsqrt(deg), 1.0 / deg


def _table_and_self(x, root, dis, inv, br, z_ref, self_ref):
    self_ref[...] = jnp.maximum(x + root, 0.0) * inv[:, None]
    aval = lax.broadcasted_iota(jnp.int32, (br, A, D), 1).astype(jnp.float32)
    z = jnp.maximum(x[:, None, :] + aval, 0.0) * dis[:, None, None]
    z_ref[...] = z.reshape(br * A, D)


def _k_pre_body(h_ref, w_ref, b_ref, root_ref, hist_ref, z_ref, self_ref):
    _, dis, inv = _deg_dis_inv(hist_ref[...])
    x = lax.dot_general(h_ref[...], w_ref[...], (((1,), (1,)), ((), ())),
                        preferred_element_type=jnp.float32) + b_ref[...]
    _table_and_self(x, root_ref[...], dis, inv, _BR, z_ref, self_ref)


def _k_pre(h, w, b, root, hist):
    return pl.pallas_call(
        _k_pre_body,
        grid=(N // _BR,),
        in_specs=[
            pl.BlockSpec((_BR, D), lambda i: (i, 0)),
            pl.BlockSpec((D, D), lambda i: (0, 0)),
            pl.BlockSpec((1, D), lambda i: (0, 0)),
            pl.BlockSpec((1, D), lambda i: (0, 0)),
            pl.BlockSpec((_BR, NW), lambda i: (i, 0)),
        ],
        out_specs=[
            pl.BlockSpec((_BR * A, D), lambda i: (i, 0)),
            pl.BlockSpec((_BR, D), lambda i: (i, 0)),
        ],
        out_shape=[
            jax.ShapeDtypeStruct((N * A, D), jnp.float32),
            jax.ShapeDtypeStruct((N, D), jnp.float32),
        ],
    )(h, w, b, root, hist)


def _combine(p0, p1, dis, selft, g, be):
    y = (p0 + p1) * dis[:, None] + selft
    return y * (g * _BN_SCALE) + be


def _k_mid_body(p0_ref, p1_ref, self0_ref, g_ref, be_ref, hist_ref,
                w_ref, b_ref, root_ref, z_ref, self_ref):
    _, dis, inv = _deg_dis_inv(hist_ref[...])
    h1 = jnp.maximum(
        _combine(p0_ref[...], p1_ref[...], dis, self0_ref[...],
                 g_ref[...], be_ref[...]), 0.0)
    x = lax.dot_general(h1, w_ref[...], (((1,), (1,)), ((), ())),
                        preferred_element_type=jnp.float32) + b_ref[...]
    _table_and_self(x, root_ref[...], dis, inv, _BR2, z_ref, self_ref)


def _k_mid(pa, pb, self0, g, be, hist, w, b, root):
    return pl.pallas_call(
        _k_mid_body,
        grid=(N // _BR2,),
        in_specs=[
            pl.BlockSpec((_BR2, D), lambda i: (i, 0)),
            pl.BlockSpec((_BR2, D), lambda i: (i, 0)),
            pl.BlockSpec((_BR2, D), lambda i: (i, 0)),
            pl.BlockSpec((1, D), lambda i: (0, 0)),
            pl.BlockSpec((1, D), lambda i: (0, 0)),
            pl.BlockSpec((_BR2, NW), lambda i: (i, 0)),
            pl.BlockSpec((D, D), lambda i: (0, 0)),
            pl.BlockSpec((1, D), lambda i: (0, 0)),
            pl.BlockSpec((1, D), lambda i: (0, 0)),
        ],
        out_specs=[
            pl.BlockSpec((_BR2 * A, D), lambda i: (i, 0)),
            pl.BlockSpec((_BR2, D), lambda i: (i, 0)),
        ],
        out_shape=[
            jax.ShapeDtypeStruct((N * A, D), jnp.float32),
            jax.ShapeDtypeStruct((N, D), jnp.float32),
        ],
    )(pa, pb, self0, g, be, hist, w, b, root)


def _k_post_body(p0_ref, p1_ref, self1_ref, g_ref, be_ref, hist_ref, o_ref):
    _, dis, _ = _deg_dis_inv(hist_ref[...])
    o_ref[...] = _combine(p0_ref[...], p1_ref[...], dis, self1_ref[...],
                          g_ref[...], be_ref[...])


def _k_post(pa, pb, self1, g, be, hist):
    return pl.pallas_call(
        _k_post_body,
        grid=(N // _BR2,),
        in_specs=[
            pl.BlockSpec((_BR2, D), lambda i: (i, 0)),
            pl.BlockSpec((_BR2, D), lambda i: (i, 0)),
            pl.BlockSpec((_BR2, D), lambda i: (i, 0)),
            pl.BlockSpec((1, D), lambda i: (0, 0)),
            pl.BlockSpec((1, D), lambda i: (0, 0)),
            pl.BlockSpec((_BR2, NW), lambda i: (i, 0)),
        ],
        out_specs=pl.BlockSpec((_BR2, D), lambda i: (i, 0)),
        out_shape=jax.ShapeDtypeStruct((N, D), jnp.float32),
    )(pa, pb, self1, g, be, hist)


def kernel(x, edge_index, edge_attr, W0, b0, root0, g0, be0,
           W1, b1, root1, g1, be1):
    row = edge_index[0]
    col = edge_index[1]
    gidx = row * A + edge_attr[:, 0]

    zerosD = jnp.zeros((SR, D), jnp.float32)
    col3 = col.reshape(NW, NCHUNK, CH)

    hist = _sc_hist(row).T

    b0r = b0.reshape(1, D)
    b1r = b1.reshape(1, D)

    z0, self0 = _k_pre(x, W0, b0r, root0, hist)
    p0a, p0b = _sc_agg(z0, gidx, col3, zerosD)
    z1, self1 = _k_mid(p0a, p0b, self0, g0.reshape(1, D), be0.reshape(1, D),
                       hist, W1, b1r, root1)
    p1a, p1b = _sc_agg(z1, gidx, col3, zerosD)
    return _k_post(p1a, p1b, self1, g1.reshape(1, D), be1.reshape(1, D), hist)

# --- scband reference (transcript-rebuilt; emitter-appended) ---
"""Pipeline reference for scband-gnn-node-36369783063008 (READ-ONLY COPY).

The authoritative reference and input builder live on the scoring server;
editing this copy changes nothing except your own understanding.
"""

import jax, jax.numpy as jnp
import numpy as np

N = 10000
E = 320000
D = 128
NUM_LAYERS = 2


def setup_inputs(seed: int = 0) -> dict:
    key = jax.random.key(seed)
    ks = jax.random.split(key, 16)
    inp = {}
    inp["x"] = jax.random.normal(ks[0], (N, D), dtype=jnp.float32)
    inp["edge_index"] = jax.random.randint(ks[1], (2, E), 0, N, dtype=jnp.int32)
    inp["edge_attr"] = jax.random.randint(ks[2], (E, 1), 0, 8, dtype=jnp.int32)
    for l in range(NUM_LAYERS):
        inp[f"W{l}"] = jax.random.normal(ks[3 + 5 * l], (D, D), dtype=jnp.float32) / np.sqrt(D)
        inp[f"b{l}"] = jnp.zeros((D,), jnp.float32)
        inp[f"root{l}"] = jax.random.normal(ks[4 + 5 * l], (1, D), dtype=jnp.float32) * 0.02
        inp[f"g{l}"] = jnp.ones((D,), jnp.float32)
        inp[f"be{l}"] = jnp.zeros((D,), jnp.float32)
    return inp


def _gcn_layer(h, edge_index, edge_attr, W, b, root):
    # x = self.linear(x)
    x = h @ W.T + b
    # edge_embedding = edge_encoder(edge_attr) ; default identity, already long
    row = edge_index[0]
    col = edge_index[1]
    # deg = degree(row, N) + 1
    deg = jax.ops.segment_sum(jnp.ones((row.shape[0],), x.dtype), row, num_segments=N) + 1.0
    dis = deg ** -0.5
    dis = jnp.where(jnp.isinf(dis), 0.0, dis)
    norm = dis[row] * dis[col]
    # message: norm * relu(x_j + edge_attr); x_j = x[row] (source), aggregated at col (target)
    msg = norm[:, None] * jax.nn.relu(x[row] + edge_attr.astype(x.dtype))
    agg = jax.ops.segment_sum(msg, col, num_segments=N)
    return agg + jax.nn.relu(x + root) * (1.0 / deg[:, None])


def _bn_eval(h, g, be):
    # BatchNorm1d in eval mode: running_mean=0, running_var=1 (fresh init), eps=1e-5
    return (h - 0.0) / jnp.sqrt(1.0 + 1e-5) * g + be


def reference(x, edge_index, edge_attr, W0, b0, root0, g0, be0, W1, b1, root1, g1, be1):
    # GNN_node forward, gnn_type='gcn', JK='last', residual=False, drop_ratio=0 (eval)
    h = x  # node_encoder identity
    # layer 0
    h = _gcn_layer(h, edge_index, edge_attr, W0, b0, root0)
    h = _bn_eval(h, g0, be0)
    h = jax.nn.relu(h)  # not last layer -> relu (dropout identity in eval)
    # layer 1 (last)
    h = _gcn_layer(h, edge_index, edge_attr, W1, b1, root1)
    h = _bn_eval(h, g1, be1)
    # dropout identity in eval; JK='last'
    return h

if __name__ == "__main__":
    import jax
    _d = setup_inputs()
    print(jax.jit(kernel)(*tuple(_d.values())))

</pallas_src>

<mosaic_0001>
#map = affine_map<(d0, d1) -> (0)>
#map1 = affine_map<(d0, d1) -> (0, 0)>
module attributes {stable_mosaic.version = 14 : i64} {
  func.func @_sc_hist(%arg0: i32, %arg1: i32, %arg2: memref<320000xi32, #tpu.memory_space<hbm>>, %arg3: memref<32x10240xf32, #tpu.memory_space<hbm>>, %arg4: memref<10240xf32, #tpu.memory_space<vmem>>, %arg5: memref<10000xi32, #tpu.memory_space<vmem>>) attributes {dimension_semantics = [#tpu.dimension_semantics<core_parallel>, #tpu.dimension_semantics<subcore_parallel>], iteration_bounds = array<i64: 2, 16>, scalar_prefetch = 0 : i64, scratch_operands = 2 : i64, tpu.core_type = #tpu.core_type<sc_vector_subcore>, window_params = [{transform_indices = #map}, {transform_indices = #map1}]} {
    %mul3A = arith.constant 2 : i32
    %mul3A_0 = arith.muli %arg1, %mul3A : i32
    %add3A = arith.addi %mul3A_0, %arg0 : i32
    %broadcast_in_dim3A = arith.constant 0.000000e+00 : f32
    %broadcast_in_dim3A_1 = vector.broadcast %broadcast_in_dim3A : f32 to vector<16xf32>
    %scan3A = arith.constant 0 : i32
    %scan3A_2 = arith.constant 0 : i32
    %scan3A_3 = arith.constant 640 : i32
    %scan3A_4 = arith.addi %scan3A_2, %scan3A_3 : i32
    %scan3A_5 = arith.constant 1 : i32
    scf.for %scan3A_17 = %scan3A_2 to %scan3A_4 step %scan3A_5  : i32 {
      %mul3A_18 = arith.constant 16 : i32
      %mul3A_19 = arith.muli %scan3A_17, %mul3A_18 : i32
      %swap3A = arith.index_cast %mul3A_19 : i32 to index
      %swap3A_20 = tpu.vector_load %arg4[%swap3A] {strides = array<i32>} : memref<10240xf32, #tpu.memory_space<vmem>>, vector<16xf32>,
      tpu.vector_store %arg4[%swap3A], %broadcast_in_dim3A_1 {strides = array<i32>} : memref<10240xf32, #tpu.memory_space<vmem>>, vector<16xf32>,
    }
    %scan3A_6 = arith.constant 640 : i32
    %mul3A_7 = arith.constant 10000 : i32
    %mul3A_8 = arith.muli %add3A, %mul3A_7 : i32
    "tpu.region"() ({
      %run_scoped3A = tpu.sem_alloc : memref<!tpu.dma_semaphore, #tpu.memory_space<semaphore_mem>>
      %dma_start3A = tpu.memref_slice %arg2[%mul3A_8] : memref<320000xi32, #tpu.memory_space<hbm>> -> memref<10000xi32, #tpu.memory_space<hbm>>
      %dma_start3A_17 = tpu.memref_slice %arg2[%mul3A_8] : memref<320000xi32, #tpu.memory_space<hbm>> -> memref<10000xi32, #tpu.memory_space<hbm>>
      tpu.enqueue_dma source(%dma_start3A_17 : memref<10000xi32, #tpu.memory_space<hbm>>) target(%arg5 : memref<10000xi32, #tpu.memory_space<vmem>>) target_semaphore(%run_scoped3A : memref<!tpu.dma_semaphore, #tpu.memory_space<semaphore_mem>>)
      %dma_wait3A = tpu.memref_slice %arg2[%mul3A_8] : memref<320000xi32, #tpu.memory_space<hbm>> -> memref<10000xi32, #tpu.memory_space<hbm>>
      %dma_wait3A_18 = tpu.memref_slice %arg2[%mul3A_8] : memref<320000xi32, #tpu.memory_space<hbm>> -> memref<10000xi32, #tpu.memory_space<hbm>>
      tpu.wait_dma2 semaphore(%run_scoped3A : memref<!tpu.dma_semaphore, #tpu.memory_space<semaphore_mem>>) src(%dma_wait3A_18 : memref<10000xi32, #tpu.memory_space<hbm>>) dst(%arg5 : memref<10000xi32, #tpu.memory_space<vmem>>)
      tpu.yield
    }) : () -> ()
    %broadcast_in_dim3A_9 = arith.constant 1.000000e+00 : f32
    %broadcast_in_dim3A_10 = vector.broadcast %broadcast_in_dim3A_9 : f32 to vector<16xf32>
    %scan3A_11 = arith.constant 0 : i32
    %scan3A_12 = arith.constant 0 : i32
    %scan3A_13 = arith.constant 625 : i32
    %scan3A_14 = arith.addi %scan3A_12, %scan3A_13 : i32
    %scan3A_15 = arith.constant 1 : i32
    scf.for %scan3A_17 = %scan3A_12 to %scan3A_14 step %scan3A_15  : i32 {
      %mul3A_18 = arith.constant 16 : i32
      %mul3A_19 = arith.muli %scan3A_17, %mul3A_18 : i32
      %get3A = arith.index_cast %mul3A_19 : i32 to index
      %get3A_20 = tpu.vector_load %arg5[%get3A] {strides = array<i32>} : memref<10000xi32, #tpu.memory_space<vmem>>, vector<16xi32>,
      tpu.vector_store_idx %arg4[%get3A_20], %broadcast_in_dim3A_10 {add = true} : memref<10240xf32, #tpu.memory_space<vmem>>[vector<16xi32>], vector<16xf32>,
    }
    %scan3A_16 = arith.constant 625 : i32
    "tpu.region"() ({
      %run_scoped3A = tpu.sem_alloc : memref<!tpu.dma_semaphore, #tpu.memory_space<semaphore_mem>>
      %dma_start3A = arith.constant 0 : i32
      %dma_start3A_17 = tpu.memref_slice %arg3[%add3A, %dma_start3A] : memref<32x10240xf32, #tpu.memory_space<hbm>> -> memref<1x10240xf32, #tpu.memory_space<hbm>>
      %dma_start3A_18 = tpu.memref_squeeze %dma_start3A_17 : memref<1x10240xf32, #tpu.memory_space<hbm>> -> memref<10240xf32, #tpu.memory_space<hbm>>
      %dma_start3A_19 = arith.constant 0 : i32
      %dma_start3A_20 = tpu.memref_slice %arg3[%add3A, %dma_start3A_19] : memref<32x10240xf32, #tpu.memory_space<hbm>> -> memref<1x10240xf32, #tpu.memory_space<hbm>>
      %dma_start3A_21 = tpu.memref_squeeze %dma_start3A_20 : memref<1x10240xf32, #tpu.memory_space<hbm>> -> memref<10240xf32, #tpu.memory_space<hbm>>
      tpu.enqueue_dma source(%arg4 : memref<10240xf32, #tpu.memory_space<vmem>>) target(%dma_start3A_21 : memref<10240xf32, #tpu.memory_space<hbm>>) target_semaphore(%run_scoped3A : memref<!tpu.dma_semaphore, #tpu.memory_space<semaphore_mem>>)
      %dma_wait3A = arith.constant 0 : i32
      %dma_wait3A_22 = tpu.memref_slice %arg3[%add3A, %dma_wait3A] : memref<32x10240xf32, #tpu.memory_space<hbm>> -> memref<1x10240xf32, #tpu.memory_space<hbm>>
      %dma_wait3A_23 = tpu.memref_squeeze %dma_wait3A_22 : memref<1x10240xf32, #tpu.memory_space<hbm>> -> memref<10240xf32, #tpu.memory_space<hbm>>
      %dma_wait3A_24 = arith.constant 0 : i32
      %dma_wait3A_25 = tpu.memref_slice %arg3[%add3A, %dma_wait3A_24] : memref<32x10240xf32, #tpu.memory_space<hbm>> -> memref<1x10240xf32, #tpu.memory_space<hbm>>
      %dma_wait3A_26 = tpu.memref_squeeze %dma_wait3A_25 : memref<1x10240xf32, #tpu.memory_space<hbm>> -> memref<10240xf32, #tpu.memory_space<hbm>>
      tpu.wait_dma2 semaphore(%run_scoped3A : memref<!tpu.dma_semaphore, #tpu.memory_space<semaphore_mem>>) src(%arg4 : memref<10240xf32, #tpu.memory_space<vmem>>) dst(%dma_wait3A_26 : memref<10240xf32, #tpu.memory_space<hbm>>)
      tpu.yield
    }) : () -> ()
    return
  }
}

#map = affine_map<(d0, d1) -> (0, 0)>
#map1 = affine_map<(d0, d1) -> (0)>
#map2 = affine_map<(d0, d1) -> (0, 0, 0)>
module attributes {stable_mosaic.version = 14 : i64} {
  func.func @_sc_agg(%arg0: i32, %arg1: i32, %arg2: memref<80000x128xf32, #tpu.memory_space<hbm>>, %arg3: memref<320000xi32, #tpu.memory_space<hbm>>, %arg4: memref<32x125x80xi32, #tpu.memory_space<hbm>>, %arg5: memref<32x128xf32, #tpu.memory_space<hbm>>, %arg6: memref<10240x128xf32, #tpu.memory_space<hbm>>, %arg7: memref<10240x128xf32, #tpu.memory_space<hbm>>, %arg8: memref<10240x128xf32, #tpu.memory_space<vmem_shared>>, %arg9: memref<32x128xf32, #tpu.memory_space<vmem>>, %arg10: memref<10000xi32, #tpu.memory_space<vmem>>, %arg11: memref<125x80xi32, #tpu.memory_space<vmem>>, %arg12: memref<80x128xf32, #tpu.memory_space<vmem>>, %arg13: memref<80x128xf32, #tpu.memory_space<vmem>>, %arg14: memref<!tpu.dma_semaphore, #tpu.memory_space<semaphore_mem>>, %arg15: memref<!tpu.dma_semaphore, #tpu.memory_space<semaphore_mem>>) attributes {dimension_semantics = [#tpu.dimension_semantics<core_parallel>, #tpu.dimension_semantics<subcore_parallel>], iteration_bounds = array<i64: 2, 16>, scalar_prefetch = 0 : i64, scratch_operands = 8 : i64, tpu.core_type = #tpu.core_type<sc_vector_subcore>, window_params = [{transform_indices = #map}, {transform_indices = #map1}, {transform_indices = #map2}, {transform_indices = #map}, {transform_indices = #map}, {transform_indices = #map}]} {
    %mul3A = arith.constant 2 : i32
    %mul3A_0 = arith.muli %arg1, %mul3A : i32
    %add3A = arith.addi %mul3A_0, %arg0 : i32
    %mul3A_1 = arith.constant 10000 : i32
    %mul3A_2 = arith.muli %add3A, %mul3A_1 : i32
    "tpu.region"() ({
      %run_scoped3A_29 = tpu.sem_alloc : memref<!tpu.dma_semaphore, #tpu.memory_space<semaphore_mem>>
      tpu.enqueue_dma source(%arg5 : memref<32x128xf32, #tpu.memory_space<hbm>>) target(%arg9 : memref<32x128xf32, #tpu.memory_space<vmem>>) target_semaphore(%run_scoped3A_29 : memref<!tpu.dma_semaphore, #tpu.memory_space<semaphore_mem>>)
      tpu.wait_dma2 semaphore(%run_scoped3A_29 : memref<!tpu.dma_semaphore, #tpu.memory_space<semaphore_mem>>) src(%arg5 : memref<32x128xf32, #tpu.memory_space<hbm>>) dst(%arg9 : memref<32x128xf32, #tpu.memory_space<vmem>>)
      tpu.yield
    }) : () -> ()
    %scan3A = arith.constant 0 : i32
    %scan3A_3 = arith.constant 0 : i32
    %scan3A_4 = arith.constant 20 : i32
    %scan3A_5 = arith.addi %scan3A_3, %scan3A_4 : i32
    %scan3A_6 = arith.constant 1 : i32
    scf.for %scan3A_29 = %scan3A_3 to %scan3A_5 step %scan3A_6  : i32 {
      %mul3A_30 = arith.constant 640 : i32
      %mul3A_31 = arith.muli %arg1, %mul3A_30 : i32
      %mul3A_32 = arith.constant 32 : i32
      %mul3A_33 = arith.muli %scan3A_29, %mul3A_32 : i32
      %add3A_34 = arith.addi %mul3A_31, %mul3A_33 : i32
      "tpu.region"() ({
        %run_scoped3A_35 = tpu.sem_alloc : memref<!tpu.dma_semaphore, #tpu.memory_space<semaphore_mem>>
        %dma_start3A_36 = arith.constant 0 : i32
        %dma_start3A_37 = tpu.memref_slice %arg8[%add3A_34, %dma_start3A_36] : memref<10240x128xf32, #tpu.memory_space<vmem_shared>> -> memref<32x128xf32, #tpu.memory_space<vmem_shared>>
        %dma_start3A_38 = arith.constant 0 : i32
        %dma_start3A_39 = tpu.memref_slice %arg8[%add3A_34, %dma_start3A_38] : memref<10240x128xf32, #tpu.memory_space<vmem_shared>> -> memref<32x128xf32, #tpu.memory_space<vmem_shared>>
        tpu.enqueue_dma source(%arg9 : memref<32x128xf32, #tpu.memory_space<vmem>>) target(%dma_start3A_39 : memref<32x128xf32, #tpu.memory_space<vmem_shared>>) target_semaphore(%run_scoped3A_35 : memref<!tpu.dma_semaphore, #tpu.memory_space<semaphore_mem>>)
        %dma_wait3A_40 = arith.constant 0 : i32
        %dma_wait3A_41 = tpu.memref_slice %arg8[%add3A_34, %dma_wait3A_40] : memref<10240x128xf32, #tpu.memory_space<vmem_shared>> -> memref<32x128xf32, #tpu.memory_space<vmem_shared>>
        %dma_wait3A_42 = arith.constant 0 : i32
        %dma_wait3A_43 = tpu.memref_slice %arg8[%add3A_34, %dma_wait3A_42] : memref<10240x128xf32, #tpu.memory_space<vmem_shared>> -> memref<32x128xf32, #tpu.memory_space<vmem_shared>>
        tpu.wait_dma2 semaphore(%run_scoped3A_35 : memref<!tpu.dma_semaphore, #tpu.memory_space<semaphore_mem>>) src(%arg9 : memref<32x128xf32, #tpu.memory_space<vmem>>) dst(%dma_wait3A_43 : memref<32x128xf32, #tpu.memory_space<vmem_shared>>)
        tpu.yield
      }) : () -> ()
    }
    %scan3A_7 = arith.constant 20 : i32
    "tpu.region"() ({
      %run_scoped3A_29 = tpu.sem_alloc : memref<!tpu.dma_semaphore, #tpu.memory_space<semaphore_mem>>
      %dma_start3A_30 = tpu.memref_slice %arg3[%mul3A_2] : memref<320000xi32, #tpu.memory_space<hbm>> -> memref<10000xi32, #tpu.memory_space<hbm>>
      %dma_start3A_31 = tpu.memref_slice %arg3[%mul3A_2] : memref<320000xi32, #tpu.memory_space<hbm>> -> memref<10000xi32, #tpu.memory_space<hbm>>
      tpu.enqueue_dma source(%dma_start3A_31 : memref<10000xi32, #tpu.memory_space<hbm>>) target(%arg10 : memref<10000xi32, #tpu.memory_space<vmem>>) target_semaphore(%run_scoped3A_29 : memref<!tpu.dma_semaphore, #tpu.memory_space<semaphore_mem>>)
      %dma_wait3A_32 = tpu.memref_slice %arg3[%mul3A_2] : memref<320000xi32, #tpu.memory_space<hbm>> -> memref<10000xi32, #tpu.memory_space<hbm>>
      %dma_wait3A_33 = tpu.memref_slice %arg3[%mul3A_2] : memref<320000xi32, #tpu.memory_space<hbm>> -> memref<10000xi32, #tpu.memory_space<hbm>>
      tpu.wait_dma2 semaphore(%run_scoped3A_29 : memref<!tpu.dma_semaphore, #tpu.memory_space<semaphore_mem>>) src(%dma_wait3A_33 : memref<10000xi32, #tpu.memory_space<hbm>>) dst(%arg10 : memref<10000xi32, #tpu.memory_space<vmem>>)
      tpu.yield
    }) : () -> ()
    "tpu.region"() ({
      %run_scoped3A_29 = tpu.sem_alloc : memref<!tpu.dma_semaphore, #tpu.memory_space<semaphore_mem>>
      %dma_start3A_30 = arith.constant 0 : i32
      %dma_start3A_31 = arith.constant 0 : i32
      %dma_start3A_32 = tpu.memref_slice %arg4[%add3A, %dma_start3A_30, %dma_start3A_31] : memref<32x125x80xi32, #tpu.memory_space<hbm>> -> memref<1x125x80xi32, #tpu.memory_space<hbm>>
      %dma_start3A_33 = tpu.memref_squeeze %dma_start3A_32 : memref<1x125x80xi32, #tpu.memory_space<hbm>> -> memref<125x80xi32, #tpu.memory_space<hbm>>
      %dma_start3A_34 = arith.constant 0 : i32
      %dma_start3A_35 = arith.constant 0 : i32
      %dma_start3A_36 = tpu.memref_slice %arg4[%add3A, %dma_start3A_34, %dma_start3A_35] : memref<32x125x80xi32, #tpu.memory_space<hbm>> -> memref<1x125x80xi32, #tpu.memory_space<hbm>>
      %dma_start3A_37 = tpu.memref_squeeze %dma_start3A_36 : memref<1x125x80xi32, #tpu.memory_space<hbm>> -> memref<125x80xi32, #tpu.memory_space<hbm>>
      tpu.enqueue_dma source(%dma_start3A_37 : memref<125x80xi32, #tpu.memory_space<hbm>>) target(%arg11 : memref<125x80xi32, #tpu.memory_space<vmem>>) target_semaphore(%run_scoped3A_29 : memref<!tpu.dma_semaphore, #tpu.memory_space<semaphore_mem>>)
      %dma_wait3A_38 = arith.constant 0 : i32
      %dma_wait3A_39 = arith.constant 0 : i32
      %dma_wait3A_40 = tpu.memref_slice %arg4[%add3A, %dma_wait3A_38, %dma_wait3A_39] : memref<32x125x80xi32, #tpu.memory_space<hbm>> -> memref<1x125x80xi32, #tpu.memory_space<hbm>>
      %dma_wait3A_41 = tpu.memref_squeeze %dma_wait3A_40 : memref<1x125x80xi32, #tpu.memory_space<hbm>> -> memref<125x80xi32, #tpu.memory_space<hbm>>
      %dma_wait3A_42 = arith.constant 0 : i32
      %dma_wait3A_43 = arith.constant 0 : i32
      %dma_wait3A_44 = tpu.memref_slice %arg4[%add3A, %dma_wait3A_42, %dma_wait3A_43] : memref<32x125x80xi32, #tpu.memory_space<hbm>> -> memref<1x125x80xi32, #tpu.memory_space<hbm>>
      %dma_wait3A_45 = tpu.memref_squeeze %dma_wait3A_44 : memref<1x125x80xi32, #tpu.memory_space<hbm>> -> memref<125x80xi32, #tpu.memory_space<hbm>>
      tpu.wait_dma2 semaphore(%run_scoped3A_29 : memref<!tpu.dma_semaphore, #tpu.memory_space<semaphore_mem>>) src(%dma_wait3A_45 : memref<125x80xi32, #tpu.memory_space<hbm>>) dst(%arg11 : memref<125x80xi32, #tpu.memory_space<vmem>>)
      tpu.yield
    }) : () -> ()
    %barrier3A = arith.constant 0 : index
    tpu.barrier barrier_id(%barrier3A)
    %dma_start3A = arith.constant 0 : i32
    %dma_start3A_8 = tpu.memref_slice %arg10[%dma_start3A] : memref<10000xi32, #tpu.memory_space<vmem>> -> memref<80xi32, #tpu.memory_space<vmem>>
    %dma_start3A_9 = arith.constant 0 : i32
    %dma_start3A_10 = arith.constant 0 : i32
    %dma_start3A_11 = tpu.memref_slice %arg2[%dma_start3A_9, %dma_start3A_10] : memref<80000x128xf32, #tpu.memory_space<hbm>> -> memref<80000x128xf32, #tpu.memory_space<hbm>>
    tpu.enqueue_indirect_dma source(%dma_start3A_11 : memref<80000x128xf32, #tpu.memory_space<hbm>>) target(%arg12 : memref<80x128xf32, #tpu.memory_space<vmem>>) offsets(%dma_start3A_8 : memref<80xi32, #tpu.memory_space<vmem>>) semaphore(%arg14 : memref<!tpu.dma_semaphore, #tpu.memory_space<semaphore_mem>>)
    %scan3A_12 = arith.constant 0 : i32
    %scan3A_13 = arith.constant 0 : i32
    %scan3A_14 = arith.constant 62 : i32
    %scan3A_15 = arith.addi %scan3A_13, %scan3A_14 : i32
    %scan3A_16 = arith.constant 1 : i32
    scf.for %scan3A_29 = %scan3A_13 to %scan3A_15 step %scan3A_16  : i32 {
      %mul3A_30 = arith.constant 2 : i32
      %mul3A_31 = arith.muli %mul3A_30, %scan3A_29 : i32
      %add3A_32 = arith.constant 1 : i32
      %add3A_33 = arith.addi %mul3A_31, %add3A_32 : i32
      %mul3A_34 = arith.constant 80 : i32
      %mul3A_35 = arith.muli %add3A_33, %mul3A_34 : i32
      %dma_start3A_36 = tpu.memref_slice %arg10[%mul3A_35] : memref<10000xi32, #tpu.memory_space<vmem>> -> memref<80xi32, #tpu.memory_space<vmem>>
      %dma_start3A_37 = arith.constant 0 : i32
      %dma_start3A_38 = arith.constant 0 : i32
      %dma_start3A_39 = tpu.memref_slice %arg2[%dma_start3A_37, %dma_start3A_38] : memref<80000x128xf32, #tpu.memory_space<hbm>> -> memref<80000x128xf32, #tpu.memory_space<hbm>>
      tpu.enqueue_indirect_dma source(%dma_start3A_39 : memref<80000x128xf32, #tpu.memory_space<hbm>>) target(%arg13 : memref<80x128xf32, #tpu.memory_space<vmem>>) offsets(%dma_start3A_36 : memref<80xi32, #tpu.memory_space<vmem>>) semaphore(%arg15 : memref<!tpu.dma_semaphore, #tpu.memory_space<semaphore_mem>>)
      %mul3A_40 = arith.constant 80 : i32
      %mul3A_41 = arith.muli %mul3A_31, %mul3A_40 : i32
      %dma_wait3A_42 = tpu.memref_slice %arg10[%mul3A_41] : memref<10000xi32, #tpu.memory_space<vmem>> -> memref<80xi32, #tpu.memory_space<vmem>>
      %dma_wait3A_43 = arith.constant 0 : i32
      %dma_wait3A_44 = arith.constant 0 : i32
      %dma_wait3A_45 = tpu.memref_slice %arg2[%dma_wait3A_43, %dma_wait3A_44] : memref<80000x128xf32, #tpu.memory_space<hbm>> -> memref<80000x128xf32, #tpu.memory_space<hbm>>
      tpu.wait_indirect_dma semaphore(%arg14 : memref<!tpu.dma_semaphore, #tpu.memory_space<semaphore_mem>>) src(%dma_wait3A_45 : memref<80000x128xf32, #tpu.memory_space<hbm>>) dst(%arg12 : memref<80x128xf32, #tpu.memory_space<vmem>>)
      "tpu.region"() ({
        %run_scoped3A_64 = tpu.sem_alloc : memref<!tpu.dma_semaphore, #tpu.memory_space<semaphore_mem>>
        %dma_start3A_65 = arith.constant 0 : i32
        %dma_start3A_66 = tpu.memref_slice %arg11[%mul3A_31, %dma_start3A_65] : memref<125x80xi32, #tpu.memory_space<vmem>> -> memref<1x80xi32, #tpu.memory_space<vmem>>
        %dma_start3A_67 = tpu.memref_squeeze %dma_start3A_66 : memref<1x80xi32, #tpu.memory_space<vmem>> -> memref<80xi32, #tpu.memory_space<vmem>>
        %dma_start3A_68 = arith.constant 0 : i32
        %dma_start3A_69 = arith.constant 0 : i32
        %dma_start3A_70 = tpu.memref_slice %arg8[%dma_start3A_68, %dma_start3A_69] : memref<10240x128xf32, #tpu.memory_space<vmem_shared>> -> memref<10240x128xf32, #tpu.memory_space<vmem_shared>>
        tpu.enqueue_indirect_dma source(%arg12 : memref<80x128xf32, #tpu.memory_space<vmem>>) target(%dma_start3A_70 : memref<10240x128xf32, #tpu.memory_space<vmem_shared>>) offsets(%dma_start3A_67 : memref<80xi32, #tpu.memory_space<vmem>>) semaphore(%run_scoped3A_64 : memref<!tpu.dma_semaphore, #tpu.memory_space<semaphore_mem>>) {add = true}
        %dma_wait3A_71 = arith.constant 0 : i32
        %dma_wait3A_72 = tpu.memref_slice %arg11[%mul3A_31, %dma_wait3A_71] : memref<125x80xi32, #tpu.memory_space<vmem>> -> memref<1x80xi32, #tpu.memory_space<vmem>>
        %dma_wait3A_73 = tpu.memref_squeeze %dma_wait3A_72 : memref<1x80xi32, #tpu.memory_space<vmem>> -> memref<80xi32, #tpu.memory_space<vmem>>
        %dma_wait3A_74 = arith.constant 0 : i32
        %dma_wait3A_75 = arith.constant 0 : i32
        %dma_wait3A_76 = tpu.memref_slice %arg8[%dma_wait3A_74, %dma_wait3A_75] : memref<10240x128xf32, #tpu.memory_space<vmem_shared>> -> memref<10240x128xf32, #tpu.memory_space<vmem_shared>>
        tpu.wait_indirect_dma semaphore(%run_scoped3A_64 : memref<!tpu.dma_semaphore, #tpu.memory_space<semaphore_mem>>) src(%arg12 : memref<80x128xf32, #tpu.memory_space<vmem>>) dst(%dma_wait3A_76 : memref<10240x128xf32, #tpu.memory_space<vmem_shared>>)
        tpu.yield
      }) : () -> ()
      %add3A_46 = arith.constant 2 : i32
      %add3A_47 = arith.addi %mul3A_31, %add3A_46 : i32
      %mul3A_48 = arith.constant 80 : i32
      %mul3A_49 = arith.muli %add3A_47, %mul3A_48 : i32
      %dma_start3A_50 = tpu.memref_slice %arg10[%mul3A_49] : memref<10000xi32, #tpu.memory_space<vmem>> -> memref<80xi32, #tpu.memory_space<vmem>>
      %dma_start3A_51 = arith.constant 0 : i32
      %dma_start3A_52 = arith.constant 0 : i32
      %dma_start3A_53 = tpu.memref_slice %arg2[%dma_start3A_51, %dma_start3A_52] : memref<80000x128xf32, #tpu.memory_space<hbm>> -> memref<80000x128xf32, #tpu.memory_space<hbm>>
      tpu.enqueue_indirect_dma source(%dma_start3A_53 : memref<80000x128xf32, #tpu.memory_space<hbm>>) target(%arg12 : memref<80x128xf32, #tpu.memory_space<vmem>>) offsets(%dma_start3A_50 : memref<80xi32, #tpu.memory_space<vmem>>) semaphore(%arg14 : memref<!tpu.dma_semaphore, #tpu.memory_space<semaphore_mem>>)
      %add3A_54 = arith.constant 1 : i32
      %add3A_55 = arith.addi %mul3A_31, %add3A_54 : i32
      %mul3A_56 = arith.constant 80 : i32
      %mul3A_57 = arith.muli %add3A_55, %mul3A_56 : i32
      %dma_wait3A_58 = tpu.memref_slice %arg10[%mul3A_57] : memref<10000xi32, #tpu.memory_space<vmem>> -> memref<80xi32, #tpu.memory_space<vmem>>
      %dma_wait3A_59 = arith.constant 0 : i32
      %dma_wait3A_60 = arith.constant 0 : i32
      %dma_wait3A_61 = tpu.memref_slice %arg2[%dma_wait3A_59, %dma_wait3A_60] : memref<80000x128xf32, #tpu.memory_space<hbm>> -> memref<80000x128xf32, #tpu.memory_space<hbm>>
      tpu.wait_indirect_dma semaphore(%arg15 : memref<!tpu.dma_semaphore, #tpu.memory_space<semaphore_mem>>) src(%dma_wait3A_61 : memref<80000x128xf32, #tpu.memory_space<hbm>>) dst(%arg13 : memref<80x128xf32, #tpu.memory_space<vmem>>)
      %add3A_62 = arith.constant 1 : i32
      %add3A_63 = arith.addi %mul3A_31, %add3A_62 : i32
      "tpu.region"() ({
        %run_scoped3A_64 = tpu.sem_alloc : memref<!tpu.dma_semaphore, #tpu.memory_space<semaphore_mem>>
        %dma_start3A_65 = arith.constant 0 : i32
        %dma_start3A_66 = tpu.memref_slice %arg11[%add3A_63, %dma_start3A_65] : memref<125x80xi32, #tpu.memory_space<vmem>> -> memref<1x80xi32, #tpu.memory_space<vmem>>
        %dma_start3A_67 = tpu.memref_squeeze %dma_start3A_66 : memref<1x80xi32, #tpu.memory_space<vmem>> -> memref<80xi32, #tpu.memory_space<vmem>>
        %dma_start3A_68 = arith.constant 0 : i32
        %dma_start3A_69 = arith.constant 0 : i32
        %dma_start3A_70 = tpu.memref_slice %arg8[%dma_start3A_68, %dma_start3A_69] : memref<10240x128xf32, #tpu.memory_space<vmem_shared>> -> memref<10240x128xf32, #tpu.memory_space<vmem_shared>>
        tpu.enqueue_indirect_dma source(%arg13 : memref<80x128xf32, #tpu.memory_space<vmem>>) target(%dma_start3A_70 : memref<10240x128xf32, #tpu.memory_space<vmem_shared>>) offsets(%dma_start3A_67 : memref<80xi32, #tpu.memory_space<vmem>>) semaphore(%run_scoped3A_64 : memref<!tpu.dma_semaphore, #tpu.memory_space<semaphore_mem>>) {add = true}
        %dma_wait3A_71 = arith.constant 0 : i32
        %dma_wait3A_72 = tpu.memref_slice %arg11[%add3A_63, %dma_wait3A_71] : memref<125x80xi32, #tpu.memory_space<vmem>> -> memref<1x80xi32, #tpu.memory_space<vmem>>
        %dma_wait3A_73 = tpu.memref_squeeze %dma_wait3A_72 : memref<1x80xi32, #tpu.memory_space<vmem>> -> memref<80xi32, #tpu.memory_space<vmem>>
        %dma_wait3A_74 = arith.constant 0 : i32
        %dma_wait3A_75 = arith.constant 0 : i32
        %dma_wait3A_76 = tpu.memref_slice %arg8[%dma_wait3A_74, %dma_wait3A_75] : memref<10240x128xf32, #tpu.memory_space<vmem_shared>> -> memref<10240x128xf32, #tpu.memory_space<vmem_shared>>
        tpu.wait_indirect_dma semaphore(%run_scoped3A_64 : memref<!tpu.dma_semaphore, #tpu.memory_space<semaphore_mem>>) src(%arg13 : memref<80x128xf32, #tpu.memory_space<vmem>>) dst(%dma_wait3A_76 : memref<10240x128xf32, #tpu.memory_space<vmem_shared>>)
        tpu.yield
      }) : () -> ()
    }
    %scan3A_17 = arith.constant 62 : i32
    %dma_wait3A = arith.constant 9920 : i32
    %dma_wait3A_18 = tpu.memref_slice %arg10[%dma_wait3A] : memref<10000xi32, #tpu.memory_space<vmem>> -> memref<80xi32, #tpu.memory_space<vmem>>
    %dma_wait3A_19 = arith.constant 0 : i32
    %dma_wait3A_20 = arith.constant 0 : i32
    %dma_wait3A_21 = tpu.memref_slice %arg2[%dma_wait3A_19, %dma_wait3A_20] : memref<80000x128xf32, #tpu.memory_space<hbm>> -> memref<80000x128xf32, #tpu.memory_space<hbm>>
    tpu.wait_indirect_dma semaphore(%arg14 : memref<!tpu.dma_semaphore, #tpu.memory_space<semaphore_mem>>) src(%dma_wait3A_21 : memref<80000x128xf32, #tpu.memory_space<hbm>>) dst(%arg12 : memref<80x128xf32, #tpu.memory_space<vmem>>)
    %run_scoped3A = arith.constant 124 : i32
    "tpu.region"() ({
      %run_scoped3A_29 = tpu.sem_alloc : memref<!tpu.dma_semaphore, #tpu.memory_space<semaphore_mem>>
      %dma_start3A_30 = arith.constant 0 : i32
      %dma_start3A_31 = tpu.memref_slice %arg11[%run_scoped3A, %dma_start3A_30] : memref<125x80xi32, #tpu.memory_space<vmem>> -> memref<1x80xi32, #tpu.memory_space<vmem>>
      %dma_start3A_32 = tpu.memref_squeeze %dma_start3A_31 : memref<1x80xi32, #tpu.memory_space<vmem>> -> memref<80xi32, #tpu.memory_space<vmem>>
      %dma_start3A_33 = arith.constant 0 : i32
      %dma_start3A_34 = arith.constant 0 : i32
      %dma_start3A_35 = tpu.memref_slice %arg8[%dma_start3A_33, %dma_start3A_34] : memref<10240x128xf32, #tpu.memory_space<vmem_shared>> -> memref<10240x128xf32, #tpu.memory_space<vmem_shared>>
      tpu.enqueue_indirect_dma source(%arg12 : memref<80x128xf32, #tpu.memory_space<vmem>>) target(%dma_start3A_35 : memref<10240x128xf32, #tpu.memory_space<vmem_shared>>) offsets(%dma_start3A_32 : memref<80xi32, #tpu.memory_space<vmem>>) semaphore(%run_scoped3A_29 : memref<!tpu.dma_semaphore, #tpu.memory_space<semaphore_mem>>) {add = true}
      %dma_wait3A_36 = arith.constant 0 : i32
      %dma_wait3A_37 = tpu.memref_slice %arg11[%run_scoped3A, %dma_wait3A_36] : memref<125x80xi32, #tpu.memory_space<vmem>> -> memref<1x80xi32, #tpu.memory_space<vmem>>
      %dma_wait3A_38 = tpu.memref_squeeze %dma_wait3A_37 : memref<1x80xi32, #tpu.memory_space<vmem>> -> memref<80xi32, #tpu.memory_space<vmem>>
      %dma_wait3A_39 = arith.constant 0 : i32
      %dma_wait3A_40 = arith.constant 0 : i32
      %dma_wait3A_41 = tpu.memref_slice %arg8[%dma_wait3A_39, %dma_wait3A_40] : memref<10240x128xf32, #tpu.memory_space<vmem_shared>> -> memref<10240x128xf32, #tpu.memory_space<vmem_shared>>
      tpu.wait_indirect_dma semaphore(%run_scoped3A_29 : memref<!tpu.dma_semaphore, #tpu.memory_space<semaphore_mem>>) src(%arg12 : memref<80x128xf32, #tpu.memory_space<vmem>>) dst(%dma_wait3A_41 : memref<10240x128xf32, #tpu.memory_space<vmem_shared>>)
      tpu.yield
    }) : () -> ()
    %barrier3A_22 = arith.constant 0 : index
    tpu.barrier barrier_id(%barrier3A_22)
    %scan3A_23 = arith.constant 0 : i32
    %scan3A_24 = arith.constant 0 : i32
    %scan3A_25 = arith.constant 20 : i32
    %scan3A_26 = arith.addi %scan3A_24, %scan3A_25 : i32
    %scan3A_27 = arith.constant 1 : i32
    scf.for %scan3A_29 = %scan3A_24 to %scan3A_26 step %scan3A_27  : i32 {
      %mul3A_30 = arith.constant 640 : i32
      %mul3A_31 = arith.muli %arg1, %mul3A_30 : i32
      %mul3A_32 = arith.constant 32 : i32
      %mul3A_33 = arith.muli %scan3A_29, %mul3A_32 : i32
      %add3A_34 = arith.addi %mul3A_31, %mul3A_33 : i32
      "tpu.region"() ({
        %run_scoped3A_42 = tpu.sem_alloc : memref<!tpu.dma_semaphore, #tpu.memory_space<semaphore_mem>>
        %dma_start3A_43 = arith.constant 0 : i32
        %dma_start3A_44 = tpu.memref_slice %arg8[%add3A_34, %dma_start3A_43] : memref<10240x128xf32, #tpu.memory_space<vmem_shared>> -> memref<32x128xf32, #tpu.memory_space<vmem_shared>>
        %dma_start3A_45 = arith.constant 0 : i32
        %dma_start3A_46 = tpu.memref_slice %arg8[%add3A_34, %dma_start3A_45] : memref<10240x128xf32, #tpu.memory_space<vmem_shared>> -> memref<32x128xf32, #tpu.memory_space<vmem_shared>>
        tpu.enqueue_dma source(%dma_start3A_46 : memref<32x128xf32, #tpu.memory_space<vmem_shared>>) target(%arg9 : memref<32x128xf32, #tpu.memory_space<vmem>>) target_semaphore(%run_scoped3A_42 : memref<!tpu.dma_semaphore, #tpu.memory_space<semaphore_mem>>)
        %dma_wait3A_47 = arith.constant 0 : i32
        %dma_wait3A_48 = tpu.memref_slice %arg8[%add3A_34, %dma_wait3A_47] : memref<10240x128xf32, #tpu.memory_space<vmem_shared>> -> memref<32x128xf32, #tpu.memory_space<vmem_shared>>
        %dma_wait3A_49 = arith.constant 0 : i32
        %dma_wait3A_50 = tpu.memref_slice %arg8[%add3A_34, %dma_wait3A_49] : memref<10240x128xf32, #tpu.memory_space<vmem_shared>> -> memref<32x128xf32, #tpu.memory_space<vmem_shared>>
        tpu.wait_dma2 semaphore(%run_scoped3A_42 : memref<!tpu.dma_semaphore, #tpu.memory_space<semaphore_mem>>) src(%dma_wait3A_50 : memref<32x128xf32, #tpu.memory_space<vmem_shared>>) dst(%arg9 : memref<32x128xf32, #tpu.memory_space<vmem>>)
        tpu.yield
      }) : () -> ()
      %eq3A = arith.constant 0 : i32
      %eq3A_35 = arith.cmpi eq, %arg0, %eq3A : i32
      %convert_element_type3A = arith.extui %eq3A_35 : i1 to i32
      %cond3A = arith.constant 0 : i32
      %cond3A_36 = arith.cmpi ne, %convert_element_type3A, %cond3A : i32
      scf.if %cond3A_36 {
        %mul3A_42 = arith.constant 640 : i32
        %mul3A_43 = arith.muli %arg1, %mul3A_42 : i32
        %mul3A_44 = arith.constant 32 : i32
        %mul3A_45 = arith.muli %scan3A_29, %mul3A_44 : i32
        %add3A_46 = arith.addi %mul3A_43, %mul3A_45 : i32
        "tpu.region"() ({
          %run_scoped3A_47 = tpu.sem_alloc : memref<!tpu.dma_semaphore, #tpu.memory_space<semaphore_mem>>
          %dma_start3A_48 = arith.constant 0 : i32
          %dma_start3A_49 = tpu.memref_slice %arg6[%add3A_46, %dma_start3A_48] : memref<10240x128xf32, #tpu.memory_space<hbm>> -> memref<32x128xf32, #tpu.memory_space<hbm>>
          %dma_start3A_50 = arith.constant 0 : i32
          %dma_start3A_51 = tpu.memref_slice %arg6[%add3A_46, %dma_start3A_50] : memref<10240x128xf32, #tpu.memory_space<hbm>> -> memref<32x128xf32, #tpu.memory_space<hbm>>
          tpu.enqueue_dma source(%arg9 : memref<32x128xf32, #tpu.memory_space<vmem>>) target(%dma_start3A_51 : memref<32x128xf32, #tpu.memory_space<hbm>>) target_semaphore(%run_scoped3A_47 : memref<!tpu.dma_semaphore, #tpu.memory_space<semaphore_mem>>)
          %dma_wait3A_52 = arith.constant 0 : i32
          %dma_wait3A_53 = tpu.memref_slice %arg6[%add3A_46, %dma_wait3A_52] : memref<10240x128xf32, #tpu.memory_space<hbm>> -> memref<32x128xf32, #tpu.memory_space<hbm>>
          %dma_wait3A_54 = arith.constant 0 : i32
          %dma_wait3A_55 = tpu.memref_slice %arg6[%add3A_46, %dma_wait3A_54] : memref<10240x128xf32, #tpu.memory_space<hbm>> -> memref<32x128xf32, #tpu.memory_space<hbm>>
          tpu.wait_dma2 semaphore(%run_scoped3A_47 : memref<!tpu.dma_semaphore, #tpu.memory_space<semaphore_mem>>) src(%arg9 : memref<32x128xf32, #tpu.memory_space<vmem>>) dst(%dma_wait3A_55 : memref<32x128xf32, #tpu.memory_space<hbm>>)
          tpu.yield
        }) : () -> ()
      } else {
      }
      %eq3A_37 = arith.constant 1 : i32
      %eq3A_38 = arith.cmpi eq, %arg0, %eq3A_37 : i32
      %convert_element_type3A_39 = arith.extui %eq3A_38 : i1 to i32
      %cond3A_40 = arith.constant 0 : i32
      %cond3A_41 = arith.cmpi ne, %convert_element_type3A_39, %cond3A_40 : i32
      scf.if %cond3A_41 {
        %mul3A_42 = arith.constant 640 : i32
        %mul3A_43 = arith.muli %arg1, %mul3A_42 : i32
        %mul3A_44 = arith.constant 32 : i32
        %mul3A_45 = arith.muli %scan3A_29, %mul3A_44 : i32
        %add3A_46 = arith.addi %mul3A_43, %mul3A_45 : i32
        "tpu.region"() ({
          %run_scoped3A_47 = tpu.sem_alloc : memref<!tpu.dma_semaphore, #tpu.memory_space<semaphore_mem>>
          %dma_start3A_48 = arith.constant 0 : i32
          %dma_start3A_49 = tpu.memref_slice %arg7[%add3A_46, %dma_start3A_48] : memref<10240x128xf32, #tpu.memory_space<hbm>> -> memref<32x128xf32, #tpu.memory_space<hbm>>
          %dma_start3A_50 = arith.constant 0 : i32
          %dma_start3A_51 = tpu.memref_slice %arg7[%add3A_46, %dma_start3A_50] : memref<10240x128xf32, #tpu.memory_space<hbm>> -> memref<32x128xf32, #tpu.memory_space<hbm>>
          tpu.enqueue_dma source(%arg9 : memref<32x128xf32, #tpu.memory_space<vmem>>) target(%dma_start3A_51 : memref<32x128xf32, #tpu.memory_space<hbm>>) target_semaphore(%run_scoped3A_47 : memref<!tpu.dma_semaphore, #tpu.memory_space<semaphore_mem>>)
          %dma_wait3A_52 = arith.constant 0 : i32
          %dma_wait3A_53 = tpu.memref_slice %arg7[%add3A_46, %dma_wait3A_52] : memref<10240x128xf32, #tpu.memory_space<hbm>> -> memref<32x128xf32, #tpu.memory_space<hbm>>
          %dma_wait3A_54 = arith.constant 0 : i32
          %dma_wait3A_55 = tpu.memref_slice %arg7[%add3A_46, %dma_wait3A_54] : memref<10240x128xf32, #tpu.memory_space<hbm>> -> memref<32x128xf32, #tpu.memory_space<hbm>>
          tpu.wait_dma2 semaphore(%run_scoped3A_47 : memref<!tpu.dma_semaphore, #tpu.memory_space<semaphore_mem>>) src(%arg9 : memref<32x128xf32, #tpu.memory_space<vmem>>) dst(%dma_wait3A_55 : memref<32x128xf32, #tpu.memory_space<hbm>>)
          tpu.yield
        }) : () -> ()
      } else {
      }
    }
    %scan3A_28 = arith.constant 20 : i32
    return
  }
}

#map = affine_map<(d0, d1) -> (0, 0)>
#map1 = affine_map<(d0, d1) -> (0)>
#map2 = affine_map<(d0, d1) -> (0, 0, 0)>
module attributes {stable_mosaic.version = 14 : i64} {
  func.func @_sc_agg(%arg0: i32, %arg1: i32, %arg2: memref<80000x128xf32, #tpu.memory_space<hbm>>, %arg3: memref<320000xi32, #tpu.memory_space<hbm>>, %arg4: memref<32x125x80xi32, #tpu.memory_space<hbm>>, %arg5: memref<32x128xf32, #tpu.memory_space<hbm>>, %arg6: memref<10240x128xf32, #tpu.memory_space<hbm>>, %arg7: memref<10240x128xf32, #tpu.memory_space<hbm>>, %arg8: memref<10240x128xf32, #tpu.memory_space<vmem_shared>>, %arg9: memref<32x128xf32, #tpu.memory_space<vmem>>, %arg10: memref<10000xi32, #tpu.memory_space<vmem>>, %arg11: memref<125x80xi32, #tpu.memory_space<vmem>>, %arg12: memref<80x128xf32, #tpu.memory_space<vmem>>, %arg13: memref<80x128xf32, #tpu.memory_space<vmem>>, %arg14: memref<!tpu.dma_semaphore, #tpu.memory_space<semaphore_mem>>, %arg15: memref<!tpu.dma_semaphore, #tpu.memory_space<semaphore_mem>>) attributes {dimension_semantics = [#tpu.dimension_semantics<core_parallel>, #tpu.dimension_semantics<subcore_parallel>], iteration_bounds = array<i64: 2, 16>, scalar_prefetch = 0 : i64, scratch_operands = 8 : i64, tpu.core_type = #tpu.core_type<sc_vector_subcore>, window_params = [{transform_indices = #map}, {transform_indices = #map1}, {transform_indices = #map2}, {transform_indices = #map}, {transform_indices = #map}, {transform_indices = #map}]} {
    %mul3A = arith.constant 2 : i32
    %mul3A_0 = arith.muli %arg1, %mul3A : i32
    %add3A = arith.addi %mul3A_0, %arg0 : i32
    %mul3A_1 = arith.constant 10000 : i32
    %mul3A_2 = arith.muli %add3A, %mul3A_1 : i32
    "tpu.region"() ({
      %run_scoped3A_29 = tpu.sem_alloc : memref<!tpu.dma_semaphore, #tpu.memory_space<semaphore_mem>>
      tpu.enqueue_dma source(%arg5 : memref<32x128xf32, #tpu.memory_space<hbm>>) target(%arg9 : memref<32x128xf32, #tpu.memory_space<vmem>>) target_semaphore(%run_scoped3A_29 : memref<!tpu.dma_semaphore, #tpu.memory_space<semaphore_mem>>)
      tpu.wait_dma2 semaphore(%run_scoped3A_29 : memref<!tpu.dma_semaphore, #tpu.memory_space<semaphore_mem>>) src(%arg5 : memref<32x128xf32, #tpu.memory_space<hbm>>) dst(%arg9 : memref<32x128xf32, #tpu.memory_space<vmem>>)
      tpu.yield
    }) : () -> ()
    %scan3A = arith.constant 0 : i32
    %scan3A_3 = arith.constant 0 : i32
    %scan3A_4 = arith.constant 20 : i32
    %scan3A_5 = arith.addi %scan3A_3, %scan3A_4 : i32
    %scan3A_6 = arith.constant 1 : i32
    scf.for %scan3A_29 = %scan3A_3 to %scan3A_5 step %scan3A_6  : i32 {
      %mul3A_30 = arith.constant 640 : i32
      %mul3A_31 = arith.muli %arg1, %mul3A_30 : i32
      %mul3A_32 = arith.constant 32 : i32
      %mul3A_33 = arith.muli %scan3A_29, %mul3A_32 : i32
      %add3A_34 = arith.addi %mul3A_31, %mul3A_33 : i32
      "tpu.region"() ({
        %run_scoped3A_35 = tpu.sem_alloc : memref<!tpu.dma_semaphore, #tpu.memory_space<semaphore_mem>>
        %dma_start3A_36 = arith.constant 0 : i32
        %dma_start3A_37 = tpu.memref_slice %arg8[%add3A_34, %dma_start3A_36] : memref<10240x128xf32, #tpu.memory_space<vmem_shared>> -> memref<32x128xf32, #tpu.memory_space<vmem_shared>>
        %dma_start3A_38 = arith.constant 0 : i32
        %dma_start3A_39 = tpu.memref_slice %arg8[%add3A_34, %dma_start3A_38] : memref<10240x128xf32, #tpu.memory_space<vmem_shared>> -> memref<32x128xf32, #tpu.memory_space<vmem_shared>>
        tpu.enqueue_dma source(%arg9 : memref<32x128xf32, #tpu.memory_space<vmem>>) target(%dma_start3A_39 : memref<32x128xf32, #tpu.memory_space<vmem_shared>>) target_semaphore(%run_scoped3A_35 : memref<!tpu.dma_semaphore, #tpu.memory_space<semaphore_mem>>)
        %dma_wait3A_40 = arith.constant 0 : i32
        %dma_wait3A_41 = tpu.memref_slice %arg8[%add3A_34, %dma_wait3A_40] : memref<10240x128xf32, #tpu.memory_space<vmem_shared>> -> memref<32x128xf32, #tpu.memory_space<vmem_shared>>
        %dma_wait3A_42 = arith.constant 0 : i32
        %dma_wait3A_43 = tpu.memref_slice %arg8[%add3A_34, %dma_wait3A_42] : memref<10240x128xf32, #tpu.memory_space<vmem_shared>> -> memref<32x128xf32, #tpu.memory_space<vmem_shared>>
        tpu.wait_dma2 semaphore(%run_scoped3A_35 : memref<!tpu.dma_semaphore, #tpu.memory_space<semaphore_mem>>) src(%arg9 : memref<32x128xf32, #tpu.memory_space<vmem>>) dst(%dma_wait3A_43 : memref<32x128xf32, #tpu.memory_space<vmem_shared>>)
        tpu.yield
      }) : () -> ()
    }
    %scan3A_7 = arith.constant 20 : i32
    "tpu.region"() ({
      %run_scoped3A_29 = tpu.sem_alloc : memref<!tpu.dma_semaphore, #tpu.memory_space<semaphore_mem>>
      %dma_start3A_30 = tpu.memref_slice %arg3[%mul3A_2] : memref<320000xi32, #tpu.memory_space<hbm>> -> memref<10000xi32, #tpu.memory_space<hbm>>
      %dma_start3A_31 = tpu.memref_slice %arg3[%mul3A_2] : memref<320000xi32, #tpu.memory_space<hbm>> -> memref<10000xi32, #tpu.memory_space<hbm>>
      tpu.enqueue_dma source(%dma_start3A_31 : memref<10000xi32, #tpu.memory_space<hbm>>) target(%arg10 : memref<10000xi32, #tpu.memory_space<vmem>>) target_semaphore(%run_scoped3A_29 : memref<!tpu.dma_semaphore, #tpu.memory_space<semaphore_mem>>)
      %dma_wait3A_32 = tpu.memref_slice %arg3[%mul3A_2] : memref<320000xi32, #tpu.memory_space<hbm>> -> memref<10000xi32, #tpu.memory_space<hbm>>
      %dma_wait3A_33 = tpu.memref_slice %arg3[%mul3A_2] : memref<320000xi32, #tpu.memory_space<hbm>> -> memref<10000xi32, #tpu.memory_space<hbm>>
      tpu.wait_dma2 semaphore(%run_scoped3A_29 : memref<!tpu.dma_semaphore, #tpu.memory_space<semaphore_mem>>) src(%dma_wait3A_33 : memref<10000xi32, #tpu.memory_space<hbm>>) dst(%arg10 : memref<10000xi32, #tpu.memory_space<vmem>>)
      tpu.yield
    }) : () -> ()
    "tpu.region"() ({
      %run_scoped3A_29 = tpu.sem_alloc : memref<!tpu.dma_semaphore, #tpu.memory_space<semaphore_mem>>
      %dma_start3A_30 = arith.constant 0 : i32
      %dma_start3A_31 = arith.constant 0 : i32
      %dma_start3A_32 = tpu.memref_slice %arg4[%add3A, %dma_start3A_30, %dma_start3A_31] : memref<32x125x80xi32, #tpu.memory_space<hbm>> -> memref<1x125x80xi32, #tpu.memory_space<hbm>>
      %dma_start3A_33 = tpu.memref_squeeze %dma_start3A_32 : memref<1x125x80xi32, #tpu.memory_space<hbm>> -> memref<125x80xi32, #tpu.memory_space<hbm>>
      %dma_start3A_34 = arith.constant 0 : i32
      %dma_start3A_35 = arith.constant 0 : i32
      %dma_start3A_36 = tpu.memref_slice %arg4[%add3A, %dma_start3A_34, %dma_start3A_35] : memref<32x125x80xi32, #tpu.memory_space<hbm>> -> memref<1x125x80xi32, #tpu.memory_space<hbm>>
      %dma_start3A_37 = tpu.memref_squeeze %dma_start3A_36 : memref<1x125x80xi32, #tpu.memory_space<hbm>> -> memref<125x80xi32, #tpu.memory_space<hbm>>
      tpu.enqueue_dma source(%dma_start3A_37 : memref<125x80xi32, #tpu.memory_space<hbm>>) target(%arg11 : memref<125x80xi32, #tpu.memory_space<vmem>>) target_semaphore(%run_scoped3A_29 : memref<!tpu.dma_semaphore, #tpu.memory_space<semaphore_mem>>)
      %dma_wait3A_38 = arith.constant 0 : i32
      %dma_wait3A_39 = arith.constant 0 : i32
      %dma_wait3A_40 = tpu.memref_slice %arg4[%add3A, %dma_wait3A_38, %dma_wait3A_39] : memref<32x125x80xi32, #tpu.memory_space<hbm>> -> memref<1x125x80xi32, #tpu.memory_space<hbm>>
      %dma_wait3A_41 = tpu.memref_squeeze %dma_wait3A_40 : memref<1x125x80xi32, #tpu.memory_space<hbm>> -> memref<125x80xi32, #tpu.memory_space<hbm>>
      %dma_wait3A_42 = arith.constant 0 : i32
      %dma_wait3A_43 = arith.constant 0 : i32
      %dma_wait3A_44 = tpu.memref_slice %arg4[%add3A, %dma_wait3A_42, %dma_wait3A_43] : memref<32x125x80xi32, #tpu.memory_space<hbm>> -> memref<1x125x80xi32, #tpu.memory_space<hbm>>
      %dma_wait3A_45 = tpu.memref_squeeze %dma_wait3A_44 : memref<1x125x80xi32, #tpu.memory_space<hbm>> -> memref<125x80xi32, #tpu.memory_space<hbm>>
      tpu.wait_dma2 semaphore(%run_scoped3A_29 : memref<!tpu.dma_semaphore, #tpu.memory_space<semaphore_mem>>) src(%dma_wait3A_45 : memref<125x80xi32, #tpu.memory_space<hbm>>) dst(%arg11 : memref<125x80xi32, #tpu.memory_space<vmem>>)
      tpu.yield
    }) : () -> ()
    %barrier3A = arith.constant 0 : index
    tpu.barrier barrier_id(%barrier3A)
    %dma_start3A = arith.constant 0 : i32
    %dma_start3A_8 = tpu.memref_slice %arg10[%dma_start3A] : memref<10000xi32, #tpu.memory_space<vmem>> -> memref<80xi32, #tpu.memory_space<vmem>>
    %dma_start3A_9 = arith.constant 0 : i32
    %dma_start3A_10 = arith.constant 0 : i32
    %dma_start3A_11 = tpu.memref_slice %arg2[%dma_start3A_9, %dma_start3A_10] : memref<80000x128xf32, #tpu.memory_space<hbm>> -> memref<80000x128xf32, #tpu.memory_space<hbm>>
    tpu.enqueue_indirect_dma source(%dma_start3A_11 : memref<80000x128xf32, #tpu.memory_space<hbm>>) target(%arg12 : memref<80x128xf32, #tpu.memory_space<vmem>>) offsets(%dma_start3A_8 : memref<80xi32, #tpu.memory_space<vmem>>) semaphore(%arg14 : memref<!tpu.dma_semaphore, #tpu.memory_space<semaphore_mem>>)
    %scan3A_12 = arith.constant 0 : i32
    %scan3A_13 = arith.constant 0 : i32
    %scan3A_14 = arith.constant 62 : i32
    %scan3A_15 = arith.addi %scan3A_13, %scan3A_14 : i32
    %scan3A_16 = arith.constant 1 : i32
    scf.for %scan3A_29 = %scan3A_13 to %scan3A_15 step %scan3A_16  : i32 {
      %mul3A_30 = arith.constant 2 : i32
      %mul3A_31 = arith.muli %mul3A_30, %scan3A_29 : i32
      %add3A_32 = arith.constant 1 : i32
      %add3A_33 = arith.addi %mul3A_31, %add3A_32 : i32
      %mul3A_34 = arith.constant 80 : i32
      %mul3A_35 = arith.muli %add3A_33, %mul3A_34 : i32
      %dma_start3A_36 = tpu.memref_slice %arg10[%mul3A_35] : memref<10000xi32, #tpu.memory_space<vmem>> -> memref<80xi32, #tpu.memory_space<vmem>>
      %dma_start3A_37 = arith.constant 0 : i32
      %dma_start3A_38 = arith.constant 0 : i32
      %dma_start3A_39 = tpu.memref_slice %arg2[%dma_start3A_37, %dma_start3A_38] : memref<80000x128xf32, #tpu.memory_space<hbm>> -> memref<80000x128xf32, #tpu.memory_space<hbm>>
      tpu.enqueue_indirect_dma source(%dma_start3A_39 : memref<80000x128xf32, #tpu.memory_space<hbm>>) target(%arg13 : memref<80x128xf32, #tpu.memory_space<vmem>>) offsets(%dma_start3A_36 : memref<80xi32, #tpu.memory_space<vmem>>) semaphore(%arg15 : memref<!tpu.dma_semaphore, #tpu.memory_space<semaphore_mem>>)
      %mul3A_40 = arith.constant 80 : i32
      %mul3A_41 = arith.muli %mul3A_31, %mul3A_40 : i32
      %dma_wait3A_42 = tpu.memref_slice %arg10[%mul3A_41] : memref<10000xi32, #tpu.memory_space<vmem>> -> memref<80xi32, #tpu.memory_space<vmem>>
      %dma_wait3A_43 = arith.constant 0 : i32
      %dma_wait3A_44 = arith.constant 0 : i32
      %dma_wait3A_45 = tpu.memref_slice %arg2[%dma_wait3A_43, %dma_wait3A_44] : memref<80000x128xf32, #tpu.memory_space<hbm>> -> memref<80000x128xf32, #tpu.memory_space<hbm>>
      tpu.wait_indirect_dma semaphore(%arg14 : memref<!tpu.dma_semaphore, #tpu.memory_space<semaphore_mem>>) src(%dma_wait3A_45 : memref<80000x128xf32, #tpu.memory_space<hbm>>) dst(%arg12 : memref<80x128xf32, #tpu.memory_space<vmem>>)
      "tpu.region"() ({
        %run_scoped3A_64 = tpu.sem_alloc : memref<!tpu.dma_semaphore, #tpu.memory_space<semaphore_mem>>
        %dma_start3A_65 = arith.constant 0 : i32
        %dma_start3A_66 = tpu.memref_slice %arg11[%mul3A_31, %dma_start3A_65] : memref<125x80xi32, #tpu.memory_space<vmem>> -> memref<1x80xi32, #tpu.memory_space<vmem>>
        %dma_start3A_67 = tpu.memref_squeeze %dma_start3A_66 : memref<1x80xi32, #tpu.memory_space<vmem>> -> memref<80xi32, #tpu.memory_space<vmem>>
        %dma_start3A_68 = arith.constant 0 : i32
        %dma_start3A_69 = arith.constant 0 : i32
        %dma_start3A_70 = tpu.memref_slice %arg8[%dma_start3A_68, %dma_start3A_69] : memref<10240x128xf32, #tpu.memory_space<vmem_shared>> -> memref<10240x128xf32, #tpu.memory_space<vmem_shared>>
        tpu.enqueue_indirect_dma source(%arg12 : memref<80x128xf32, #tpu.memory_space<vmem>>) target(%dma_start3A_70 : memref<10240x128xf32, #tpu.memory_space<vmem_shared>>) offsets(%dma_start3A_67 : memref<80xi32, #tpu.memory_space<vmem>>) semaphore(%run_scoped3A_64 : memref<!tpu.dma_semaphore, #tpu.memory_space<semaphore_mem>>) {add = true}
        %dma_wait3A_71 = arith.constant 0 : i32
        %dma_wait3A_72 = tpu.memref_slice %arg11[%mul3A_31, %dma_wait3A_71] : memref<125x80xi32, #tpu.memory_space<vmem>> -> memref<1x80xi32, #tpu.memory_space<vmem>>
        %dma_wait3A_73 = tpu.memref_squeeze %dma_wait3A_72 : memref<1x80xi32, #tpu.memory_space<vmem>> -> memref<80xi32, #tpu.memory_space<vmem>>
        %dma_wait3A_74 = arith.constant 0 : i32
        %dma_wait3A_75 = arith.constant 0 : i32
        %dma_wait3A_76 = tpu.memref_slice %arg8[%dma_wait3A_74, %dma_wait3A_75] : memref<10240x128xf32, #tpu.memory_space<vmem_shared>> -> memref<10240x128xf32, #tpu.memory_space<vmem_shared>>
        tpu.wait_indirect_dma semaphore(%run_scoped3A_64 : memref<!tpu.dma_semaphore, #tpu.memory_space<semaphore_mem>>) src(%arg12 : memref<80x128xf32, #tpu.memory_space<vmem>>) dst(%dma_wait3A_76 : memref<10240x128xf32, #tpu.memory_space<vmem_shared>>)
        tpu.yield
      }) : () -> ()
      %add3A_46 = arith.constant 2 : i32
      %add3A_47 = arith.addi %mul3A_31, %add3A_46 : i32
      %mul3A_48 = arith.constant 80 : i32
      %mul3A_49 = arith.muli %add3A_47, %mul3A_48 : i32
      %dma_start3A_50 = tpu.memref_slice %arg10[%mul3A_49] : memref<10000xi32, #tpu.memory_space<vmem>> -> memref<80xi32, #tpu.memory_space<vmem>>
      %dma_start3A_51 = arith.constant 0 : i32
      %dma_start3A_52 = arith.constant 0 : i32
      %dma_start3A_53 = tpu.memref_slice %arg2[%dma_start3A_51, %dma_start3A_52] : memref<80000x128xf32, #tpu.memory_space<hbm>> -> memref<80000x128xf32, #tpu.memory_space<hbm>>
      tpu.enqueue_indirect_dma source(%dma_start3A_53 : memref<80000x128xf32, #tpu.memory_space<hbm>>) target(%arg12 : memref<80x128xf32, #tpu.memory_space<vmem>>) offsets(%dma_start3A_50 : memref<80xi32, #tpu.memory_space<vmem>>) semaphore(%arg14 : memref<!tpu.dma_semaphore, #tpu.memory_space<semaphore_mem>>)
      %add3A_54 = arith.constant 1 : i32
      %add3A_55 = arith.addi %mul3A_31, %add3A_54 : i32
      %mul3A_56 = arith.constant 80 : i32
      %mul3A_57 = arith.muli %add3A_55, %mul3A_56 : i32
      %dma_wait3A_58 = tpu.memref_slice %arg10[%mul3A_57] : memref<10000xi32, #tpu.memory_space<vmem>> -> memref<80xi32, #tpu.memory_space<vmem>>
      %dma_wait3A_59 = arith.constant 0 : i32
      %dma_wait3A_60 = arith.constant 0 : i32
      %dma_wait3A_61 = tpu.memref_slice %arg2[%dma_wait3A_59, %dma_wait3A_60] : memref<80000x128xf32, #tpu.memory_space<hbm>> -> memref<80000x128xf32, #tpu.memory_space<hbm>>
      tpu.wait_indirect_dma semaphore(%arg15 : memref<!tpu.dma_semaphore, #tpu.memory_space<semaphore_mem>>) src(%dma_wait3A_61 : memref<80000x128xf32, #tpu.memory_space<hbm>>) dst(%arg13 : memref<80x128xf32, #tpu.memory_space<vmem>>)
      %add3A_62 = arith.constant 1 : i32
      %add3A_63 = arith.addi %mul3A_31, %add3A_62 : i32
      "tpu.region"() ({
        %run_scoped3A_64 = tpu.sem_alloc : memref<!tpu.dma_semaphore, #tpu.memory_space<semaphore_mem>>
        %dma_start3A_65 = arith.constant 0 : i32
        %dma_start3A_66 = tpu.memref_slice %arg11[%add3A_63, %dma_start3A_65] : memref<125x80xi32, #tpu.memory_space<vmem>> -> memref<1x80xi32, #tpu.memory_space<vmem>>
        %dma_start3A_67 = tpu.memref_squeeze %dma_start3A_66 : memref<1x80xi32, #tpu.memory_space<vmem>> -> memref<80xi32, #tpu.memory_space<vmem>>
        %dma_start3A_68 = arith.constant 0 : i32
        %dma_start3A_69 = arith.constant 0 : i32
        %dma_start3A_70 = tpu.memref_slice %arg8[%dma_start3A_68, %dma_start3A_69] : memref<10240x128xf32, #tpu.memory_space<vmem_shared>> -> memref<10240x128xf32, #tpu.memory_space<vmem_shared>>
        tpu.enqueue_indirect_dma source(%arg13 : memref<80x128xf32, #tpu.memory_space<vmem>>) target(%dma_start3A_70 : memref<10240x128xf32, #tpu.memory_space<vmem_shared>>) offsets(%dma_start3A_67 : memref<80xi32, #tpu.memory_space<vmem>>) semaphore(%run_scoped3A_64 : memref<!tpu.dma_semaphore, #tpu.memory_space<semaphore_mem>>) {add = true}
        %dma_wait3A_71 = arith.constant 0 : i32
        %dma_wait3A_72 = tpu.memref_slice %arg11[%add3A_63, %dma_wait3A_71] : memref<125x80xi32, #tpu.memory_space<vmem>> -> memref<1x80xi32, #tpu.memory_space<vmem>>
        %dma_wait3A_73 = tpu.memref_squeeze %dma_wait3A_72 : memref<1x80xi32, #tpu.memory_space<vmem>> -> memref<80xi32, #tpu.memory_space<vmem>>
        %dma_wait3A_74 = arith.constant 0 : i32
        %dma_wait3A_75 = arith.constant 0 : i32
        %dma_wait3A_76 = tpu.memref_slice %arg8[%dma_wait3A_74, %dma_wait3A_75] : memref<10240x128xf32, #tpu.memory_space<vmem_shared>> -> memref<10240x128xf32, #tpu.memory_space<vmem_shared>>
        tpu.wait_indirect_dma semaphore(%run_scoped3A_64 : memref<!tpu.dma_semaphore, #tpu.memory_space<semaphore_mem>>) src(%arg13 : memref<80x128xf32, #tpu.memory_space<vmem>>) dst(%dma_wait3A_76 : memref<10240x128xf32, #tpu.memory_space<vmem_shared>>)
        tpu.yield
      }) : () -> ()
    }
    %scan3A_17 = arith.constant 62 : i32
    %dma_wait3A = arith.constant 9920 : i32
    %dma_wait3A_18 = tpu.memref_slice %arg10[%dma_wait3A] : memref<10000xi32, #tpu.memory_space<vmem>> -> memref<80xi32, #tpu.memory_space<vmem>>
    %dma_wait3A_19 = arith.constant 0 : i32
    %dma_wait3A_20 = arith.constant 0 : i32
    %dma_wait3A_21 = tpu.memref_slice %arg2[%dma_wait3A_19, %dma_wait3A_20] : memref<80000x128xf32, #tpu.memory_space<hbm>> -> memref<80000x128xf32, #tpu.memory_space<hbm>>
    tpu.wait_indirect_dma semaphore(%arg14 : memref<!tpu.dma_semaphore, #tpu.memory_space<semaphore_mem>>) src(%dma_wait3A_21 : memref<80000x128xf32, #tpu.memory_space<hbm>>) dst(%arg12 : memref<80x128xf32, #tpu.memory_space<vmem>>)
    %run_scoped3A = arith.constant 124 : i32
    "tpu.region"() ({
      %run_scoped3A_29 = tpu.sem_alloc : memref<!tpu.dma_semaphore, #tpu.memory_space<semaphore_mem>>
      %dma_start3A_30 = arith.constant 0 : i32
      %dma_start3A_31 = tpu.memref_slice %arg11[%run_scoped3A, %dma_start3A_30] : memref<125x80xi32, #tpu.memory_space<vmem>> -> memref<1x80xi32, #tpu.memory_space<vmem>>
      %dma_start3A_32 = tpu.memref_squeeze %dma_start3A_31 : memref<1x80xi32, #tpu.memory_space<vmem>> -> memref<80xi32, #tpu.memory_space<vmem>>
      %dma_start3A_33 = arith.constant 0 : i32
      %dma_start3A_34 = arith.constant 0 : i32
      %dma_start3A_35 = tpu.memref_slice %arg8[%dma_start3A_33, %dma_start3A_34] : memref<10240x128xf32, #tpu.memory_space<vmem_shared>> -> memref<10240x128xf32, #tpu.memory_space<vmem_shared>>
      tpu.enqueue_indirect_dma source(%arg12 : memref<80x128xf32, #tpu.memory_space<vmem>>) target(%dma_start3A_35 : memref<10240x128xf32, #tpu.memory_space<vmem_shared>>) offsets(%dma_start3A_32 : memref<80xi32, #tpu.memory_space<vmem>>) semaphore(%run_scoped3A_29 : memref<!tpu.dma_semaphore, #tpu.memory_space<semaphore_mem>>) {add = true}
      %dma_wait3A_36 = arith.constant 0 : i32
      %dma_wait3A_37 = tpu.memref_slice %arg11[%run_scoped3A, %dma_wait3A_36] : memref<125x80xi32, #tpu.memory_space<vmem>> -> memref<1x80xi32, #tpu.memory_space<vmem>>
      %dma_wait3A_38 = tpu.memref_squeeze %dma_wait3A_37 : memref<1x80xi32, #tpu.memory_space<vmem>> -> memref<80xi32, #tpu.memory_space<vmem>>
      %dma_wait3A_39 = arith.constant 0 : i32
      %dma_wait3A_40 = arith.constant 0 : i32
      %dma_wait3A_41 = tpu.memref_slice %arg8[%dma_wait3A_39, %dma_wait3A_40] : memref<10240x128xf32, #tpu.memory_space<vmem_shared>> -> memref<10240x128xf32, #tpu.memory_space<vmem_shared>>
      tpu.wait_indirect_dma semaphore(%run_scoped3A_29 : memref<!tpu.dma_semaphore, #tpu.memory_space<semaphore_mem>>) src(%arg12 : memref<80x128xf32, #tpu.memory_space<vmem>>) dst(%dma_wait3A_41 : memref<10240x128xf32, #tpu.memory_space<vmem_shared>>)
      tpu.yield
    }) : () -> ()
    %barrier3A_22 = arith.constant 0 : index
    tpu.barrier barrier_id(%barrier3A_22)
    %scan3A_23 = arith.constant 0 : i32
    %scan3A_24 = arith.constant 0 : i32
    %scan3A_25 = arith.constant 20 : i32
    %scan3A_26 = arith.addi %scan3A_24, %scan3A_25 : i32
    %scan3A_27 = arith.constant 1 : i32
    scf.for %scan3A_29 = %scan3A_24 to %scan3A_26 step %scan3A_27  : i32 {
      %mul3A_30 = arith.constant 640 : i32
      %mul3A_31 = arith.muli %arg1, %mul3A_30 : i32
      %mul3A_32 = arith.constant 32 : i32
      %mul3A_33 = arith.muli %scan3A_29, %mul3A_32 : i32
      %add3A_34 = arith.addi %mul3A_31, %mul3A_33 : i32
      "tpu.region"() ({
        %run_scoped3A_42 = tpu.sem_alloc : memref<!tpu.dma_semaphore, #tpu.memory_space<semaphore_mem>>
        %dma_start3A_43 = arith.constant 0 : i32
        %dma_start3A_44 = tpu.memref_slice %arg8[%add3A_34, %dma_start3A_43] : memref<10240x128xf32, #tpu.memory_space<vmem_shared>> -> memref<32x128xf32, #tpu.memory_space<vmem_shared>>
        %dma_start3A_45 = arith.constant 0 : i32
        %dma_start3A_46 = tpu.memref_slice %arg8[%add3A_34, %dma_start3A_45] : memref<10240x128xf32, #tpu.memory_space<vmem_shared>> -> memref<32x128xf32, #tpu.memory_space<vmem_shared>>
        tpu.enqueue_dma source(%dma_start3A_46 : memref<32x128xf32, #tpu.memory_space<vmem_shared>>) target(%arg9 : memref<32x128xf32, #tpu.memory_space<vmem>>) target_semaphore(%run_scoped3A_42 : memref<!tpu.dma_semaphore, #tpu.memory_space<semaphore_mem>>)
        %dma_wait3A_47 = arith.constant 0 : i32
        %dma_wait3A_48 = tpu.memref_slice %arg8[%add3A_34, %dma_wait3A_47] : memref<10240x128xf32, #tpu.memory_space<vmem_shared>> -> memref<32x128xf32, #tpu.memory_space<vmem_shared>>
        %dma_wait3A_49 = arith.constant 0 : i32
        %dma_wait3A_50 = tpu.memref_slice %arg8[%add3A_34, %dma_wait3A_49] : memref<10240x128xf32, #tpu.memory_space<vmem_shared>> -> memref<32x128xf32, #tpu.memory_space<vmem_shared>>
        tpu.wait_dma2 semaphore(%run_scoped3A_42 : memref<!tpu.dma_semaphore, #tpu.memory_space<semaphore_mem>>) src(%dma_wait3A_50 : memref<32x128xf32, #tpu.memory_space<vmem_shared>>) dst(%arg9 : memref<32x128xf32, #tpu.memory_space<vmem>>)
        tpu.yield
      }) : () -> ()
      %eq3A = arith.constant 0 : i32
      %eq3A_35 = arith.cmpi eq, %arg0, %eq3A : i32
      %convert_element_type3A = arith.extui %eq3A_35 : i1 to i32
      %cond3A = arith.constant 0 : i32
      %cond3A_36 = arith.cmpi ne, %convert_element_type3A, %cond3A : i32
      scf.if %cond3A_36 {
        %mul3A_42 = arith.constant 640 : i32
        %mul3A_43 = arith.muli %arg1, %mul3A_42 : i32
        %mul3A_44 = arith.constant 32 : i32
        %mul3A_45 = arith.muli %scan3A_29, %mul3A_44 : i32
        %add3A_46 = arith.addi %mul3A_43, %mul3A_45 : i32
        "tpu.region"() ({
          %run_scoped3A_47 = tpu.sem_alloc : memref<!tpu.dma_semaphore, #tpu.memory_space<semaphore_mem>>
          %dma_start3A_48 = arith.constant 0 : i32
          %dma_start3A_49 = tpu.memref_slice %arg6[%add3A_46, %dma_start3A_48] : memref<10240x128xf32, #tpu.memory_space<hbm>> -> memref<32x128xf32, #tpu.memory_space<hbm>>
          %dma_start3A_50 = arith.constant 0 : i32
          %dma_start3A_51 = tpu.memref_slice %arg6[%add3A_46, %dma_start3A_50] : memref<10240x128xf32, #tpu.memory_space<hbm>> -> memref<32x128xf32, #tpu.memory_space<hbm>>
          tpu.enqueue_dma source(%arg9 : memref<32x128xf32, #tpu.memory_space<vmem>>) target(%dma_start3A_51 : memref<32x128xf32, #tpu.memory_space<hbm>>) target_semaphore(%run_scoped3A_47 : memref<!tpu.dma_semaphore, #tpu.memory_space<semaphore_mem>>)
          %dma_wait3A_52 = arith.constant 0 : i32
          %dma_wait3A_53 = tpu.memref_slice %arg6[%add3A_46, %dma_wait3A_52] : memref<10240x128xf32, #tpu.memory_space<hbm>> -> memref<32x128xf32, #tpu.memory_space<hbm>>
          %dma_wait3A_54 = arith.constant 0 : i32
          %dma_wait3A_55 = tpu.memref_slice %arg6[%add3A_46, %dma_wait3A_54] : memref<10240x128xf32, #tpu.memory_space<hbm>> -> memref<32x128xf32, #tpu.memory_space<hbm>>
          tpu.wait_dma2 semaphore(%run_scoped3A_47 : memref<!tpu.dma_semaphore, #tpu.memory_space<semaphore_mem>>) src(%arg9 : memref<32x128xf32, #tpu.memory_space<vmem>>) dst(%dma_wait3A_55 : memref<32x128xf32, #tpu.memory_space<hbm>>)
          tpu.yield
        }) : () -> ()
      } else {
      }
      %eq3A_37 = arith.constant 1 : i32
      %eq3A_38 = arith.cmpi eq, %arg0, %eq3A_37 : i32
      %convert_element_type3A_39 = arith.extui %eq3A_38 : i1 to i32
      %cond3A_40 = arith.constant 0 : i32
      %cond3A_41 = arith.cmpi ne, %convert_element_type3A_39, %cond3A_40 : i32
      scf.if %cond3A_41 {
        %mul3A_42 = arith.constant 640 : i32
        %mul3A_43 = arith.muli %arg1, %mul3A_42 : i32
        %mul3A_44 = arith.constant 32 : i32
        %mul3A_45 = arith.muli %scan3A_29, %mul3A_44 : i32
        %add3A_46 = arith.addi %mul3A_43, %mul3A_45 : i32
        "tpu.region"() ({
          %run_scoped3A_47 = tpu.sem_alloc : memref<!tpu.dma_semaphore, #tpu.memory_space<semaphore_mem>>
          %dma_start3A_48 = arith.constant 0 : i32
          %dma_start3A_49 = tpu.memref_slice %arg7[%add3A_46, %dma_start3A_48] : memref<10240x128xf32, #tpu.memory_space<hbm>> -> memref<32x128xf32, #tpu.memory_space<hbm>>
          %dma_start3A_50 = arith.constant 0 : i32
          %dma_start3A_51 = tpu.memref_slice %arg7[%add3A_46, %dma_start3A_50] : memref<10240x128xf32, #tpu.memory_space<hbm>> -> memref<32x128xf32, #tpu.memory_space<hbm>>
          tpu.enqueue_dma source(%arg9 : memref<32x128xf32, #tpu.memory_space<vmem>>) target(%dma_start3A_51 : memref<32x128xf32, #tpu.memory_space<hbm>>) target_semaphore(%run_scoped3A_47 : memref<!tpu.dma_semaphore, #tpu.memory_space<semaphore_mem>>)
          %dma_wait3A_52 = arith.constant 0 : i32
          %dma_wait3A_53 = tpu.memref_slice %arg7[%add3A_46, %dma_wait3A_52] : memref<10240x128xf32, #tpu.memory_space<hbm>> -> memref<32x128xf32, #tpu.memory_space<hbm>>
          %dma_wait3A_54 = arith.constant 0 : i32
          %dma_wait3A_55 = tpu.memref_slice %arg7[%add3A_46, %dma_wait3A_54] : memref<10240x128xf32, #tpu.memory_space<hbm>> -> memref<32x128xf32, #tpu.memory_space<hbm>>
          tpu.wait_dma2 semaphore(%run_scoped3A_47 : memref<!tpu.dma_semaphore, #tpu.memory_space<semaphore_mem>>) src(%arg9 : memref<32x128xf32, #tpu.memory_space<vmem>>) dst(%dma_wait3A_55 : memref<32x128xf32, #tpu.memory_space<hbm>>)
          tpu.yield
        }) : () -> ()
      } else {
      }
    }
    %scan3A_28 = arith.constant 20 : i32
    return
  }
}

module attributes {stable_mosaic.version = 14 : i64} {
  func.func @_k_pre_body(%arg0: i32, %arg1: memref<1000x128xf32, #tpu.memory_space<vmem>>, %arg2: memref<128x128xf32, #tpu.memory_space<vmem>>, %arg3: memref<1x128xf32, #tpu.memory_space<vmem>>, %arg4: memref<1x128xf32, #tpu.memory_space<vmem>>, %arg5: memref<1000x32xf32, #tpu.memory_space<vmem>>, %arg6: memref<8000x128xf32, #tpu.memory_space<vmem>>, %arg7: memref<1000x128xf32, #tpu.memory_space<vmem>>) attributes {dimension_semantics = [#tpu.dimension_semantics<arbitrary>], iteration_bounds = array<i64: 10>, scalar_prefetch = 0 : i64, scratch_operands = 0 : i64, tpu.core_type = #tpu.core_type<tc>, window_params = [{transform_indices = @transform_0, window_bounds = array<i64: 1000, 128>}, {pipeline_mode = #tpu.pipeline_mode<synchronous>, transform_indices = @transform_1, window_bounds = array<i64: 128, 128>}, {pipeline_mode = #tpu.pipeline_mode<synchronous>, transform_indices = @transform_2, window_bounds = array<i64: 1, 128>}, {pipeline_mode = #tpu.pipeline_mode<synchronous>, transform_indices = @transform_3, window_bounds = array<i64: 1, 128>}, {transform_indices = @transform_4, window_bounds = array<i64: 1000, 32>}, {transform_indices = @transform_5, window_bounds = array<i64: 8000, 128>}, {transform_indices = @transform_6, window_bounds = array<i64: 1000, 128>}]} {
    %get3A = arith.constant 0 : index
    %get3A_0 = arith.constant 0 : index
    %get3A_1 = vector.load %arg5[%get3A, %get3A_0] : memref<1000x32xf32, #tpu.memory_space<vmem>>, vector<1000x32xf32>
    %reduce_sum3A = arith.constant dense<0.000000e+00> : vector<1000xf32>
    %reduce_sum3A_2 = vector.multi_reduction <add>, %get3A_1, %reduce_sum3A [1] : vector<1000x32xf32> to vector<1000xf32>
    %add3A = arith.constant 1.000000e+00 : f32
    %add3A_3 = vector.broadcast %add3A : f32 to vector<1000xf32>
    %add3A_4 = arith.addf %reduce_sum3A_2, %add3A_3 : vector<1000xf32>
    %rsqrt3A = math.rsqrt %add3A_4 : vector<1000xf32>
    %div3A = arith.constant 1.000000e+00 : f32
    %div3A_5 = vector.broadcast %div3A : f32 to vector<1000xf32>
    %div3A_6 = arith.divf %div3A_5, %add3A_4 : vector<1000xf32>
    %get3A_7 = arith.constant 0 : index
    %get3A_8 = arith.constant 0 : index
    %get3A_9 = vector.load %arg1[%get3A_7, %get3A_8] : memref<1000x128xf32, #tpu.memory_space<vmem>>, vector<1000x128xf32>
    %get3A_10 = arith.constant 0 : index
    %get3A_11 = arith.constant 0 : index
    %get3A_12 = vector.load %arg2[%get3A_10, %get3A_11] : memref<128x128xf32, #tpu.memory_space<vmem>>, vector<128x128xf32>
    %dot_general3A = arith.constant dense<0.000000e+00> : vector<1000x128xf32>
    %dot_general3A_13 = tpu.matmul %get3A_9, %get3A_12, %dot_general3A {dimension_numbers = #tpu.dot_dimension_numbers<[1], [1], [0], [0], [0, 0, 1, 0], [], []>, transpose_lhs_hint = false} : vector<1000x128xf32>, vector<128x128xf32>, vector<1000x128xf32> -> vector<1000x128xf32>
    %get3A_14 = arith.constant 0 : index
    %get3A_15 = arith.constant 0 : index
    %get3A_16 = vector.load %arg3[%get3A_14, %get3A_15] : memref<1x128xf32, #tpu.memory_space<vmem>>, vector<1x128xf32>
    %add3A_17 = vector.broadcast %get3A_16 : vector<1x128xf32> to vector<1000x128xf32>
    %add3A_18 = arith.addf %dot_general3A_13, %add3A_17 : vector<1000x128xf32>
    %get3A_19 = arith.constant 0 : index
    %get3A_20 = arith.constant 0 : index
    %get3A_21 = vector.load %arg4[%get3A_19, %get3A_20] : memref<1x128xf32, #tpu.memory_space<vmem>>, vector<1x128xf32>
    %add3A_22 = vector.broadcast %get3A_21 : vector<1x128xf32> to vector<1000x128xf32>
    %add3A_23 = arith.addf %add3A_18, %add3A_22 : vector<1000x128xf32>
    %max3A = arith.constant 0.000000e+00 : f32
    %max3A_24 = vector.broadcast %max3A : f32 to vector<1000x128xf32>
    %max3A_25 = arith.maximumf %add3A_23, %max3A_24 : vector<1000x128xf32>
    %broadcast_in_dim3A = vector.shape_cast %div3A_6 : vector<1000xf32> to vector<1000x1xf32>
    %mul3A = vector.broadcast %broadcast_in_dim3A : vector<1000x1xf32> to vector<1000x128xf32>
    %mul3A_26 = arith.mulf %max3A_25, %mul3A : vector<1000x128xf32>
    %swap3A = arith.constant 0 : index
    %swap3A_27 = arith.constant 0 : index
    %swap3A_28 = vector.load %arg7[%swap3A, %swap3A_27] : memref<1000x128xf32, #tpu.memory_space<vmem>>, vector<1000x128xf32>
    tpu.vector_store %arg7[%swap3A, %swap3A_27], %mul3A_26 {strides = array<i32>} : memref<1000x128xf32, #tpu.memory_space<vmem>>, vector<1000x128xf32>,
    %iota3A = tpu.iota {dimensions = array<i32: 1>} : vector<1000x8x128xi32>
    %convert_element_type3A = arith.sitofp %iota3A : vector<1000x8x128xi32> to vector<1000x8x128xf32>
    %broadcast_in_dim3A_29 = vector.shape_cast %add3A_18 : vector<1000x128xf32> to vector<1000x1x128xf32>
    %add3A_30 = vector.broadcast %broadcast_in_dim3A_29 : vector<1000x1x128xf32> to vector<1000x8x128xf32>
    %add3A_31 = arith.addf %add3A_30, %convert_element_type3A : vector<1000x8x128xf32>
    %max3A_32 = arith.constant 0.000000e+00 : f32
    %max3A_33 = vector.broadcast %max3A_32 : f32 to vector<1000x8x128xf32>
    %max3A_34 = arith.maximumf %add3A_31, %max3A_33 : vector<1000x8x128xf32>
    %broadcast_in_dim3A_35 = vector.shape_cast %rsqrt3A : vector<1000xf32> to vector<1000x1x1xf32>
    %mul3A_36 = vector.broadcast %broadcast_in_dim3A_35 : vector<1000x1x1xf32> to vector<1000x8x128xf32>
    %mul3A_37 = arith.mulf %max3A_34, %mul3A_36 : vector<1000x8x128xf32>
    %reshape3A = vector.shape_cast %mul3A_37 : vector<1000x8x128xf32> to vector<8000x128xf32>
    %swap3A_38 = arith.constant 0 : index
    %swap3A_39 = arith.constant 0 : index
    %swap3A_40 = vector.load %arg6[%swap3A_38, %swap3A_39] : memref<8000x128xf32, #tpu.memory_space<vmem>>, vector<8000x128xf32>
    tpu.vector_store %arg6[%swap3A_38, %swap3A_39], %reshape3A {strides = array<i32>} : memref<8000x128xf32, #tpu.memory_space<vmem>>, vector<8000x128xf32>,
    return
  }
  func.func @transform_0(%arg0: i32) -> (i32, i32) {
    %c0_i32 = arith.constant 0 : i32
    %c0_i32_0 = arith.constant 0 : i32
    return %arg0, %c0_i32 : i32, i32
  }
  func.func @transform_1(%arg0: i32) -> (i32, i32) {
    %c0_i32 = arith.constant 0 : i32
    %c0_i32_0 = arith.constant 0 : i32
    %c0_i32_1 = arith.constant 0 : i32
    return %c0_i32, %c0_i32_0 : i32, i32
  }
  func.func @transform_2(%arg0: i32) -> (i32, i32) {
    %c0_i32 = arith.constant 0 : i32
    %c0_i32_0 = arith.constant 0 : i32
    %c0_i32_1 = arith.constant 0 : i32
    return %c0_i32, %c0_i32_0 : i32, i32
  }
  func.func @transform_3(%arg0: i32) -> (i32, i32) {
    %c0_i32 = arith.constant 0 : i32
    %c0_i32_0 = arith.constant 0 : i32
    %c0_i32_1 = arith.constant 0 : i32
    return %c0_i32, %c0_i32_0 : i32, i32
  }
  func.func @transform_4(%arg0: i32) -> (i32, i32) {
    %c0_i32 = arith.constant 0 : i32
    %c0_i32_0 = arith.constant 0 : i32
    return %arg0, %c0_i32 : i32, i32
  }
  func.func @transform_5(%arg0: i32) -> (i32, i32) {
    %c0_i32 = arith.constant 0 : i32
    %c0_i32_0 = arith.constant 0 : i32
    return %arg0, %c0_i32 : i32, i32
  }
  func.func @transform_6(%arg0: i32) -> (i32, i32) {
    %c0_i32 = arith.constant 0 : i32
    %c0_i32_0 = arith.constant 0 : i32
    return %arg0, %c0_i32 : i32, i32
  }
}

module attributes {stable_mosaic.version = 14 : i64} {
  func.func @_k_mid_body(%arg0: i32, %arg1: memref<1000x128xf32, #tpu.memory_space<vmem>>, %arg2: memref<1000x128xf32, #tpu.memory_space<vmem>>, %arg3: memref<1000x128xf32, #tpu.memory_space<vmem>>, %arg4: memref<1x128xf32, #tpu.memory_space<vmem>>, %arg5: memref<1x128xf32, #tpu.memory_space<vmem>>, %arg6: memref<1000x32xf32, #tpu.memory_space<vmem>>, %arg7: memref<128x128xf32, #tpu.memory_space<vmem>>, %arg8: memref<1x128xf32, #tpu.memory_space<vmem>>, %arg9: memref<1x128xf32, #tpu.memory_space<vmem>>, %arg10: memref<8000x128xf32, #tpu.memory_space<vmem>>, %arg11: memref<1000x128xf32, #tpu.memory_space<vmem>>) attributes {dimension_semantics = [#tpu.dimension_semantics<arbitrary>], iteration_bounds = array<i64: 10>, scalar_prefetch = 0 : i64, scratch_operands = 0 : i64, tpu.core_type = #tpu.core_type<tc>, window_params = [{transform_indices = @transform_0, window_bounds = array<i64: 1000, 128>}, {transform_indices = @transform_1, window_bounds = array<i64: 1000, 128>}, {transform_indices = @transform_2, window_bounds = array<i64: 1000, 128>}, {pipeline_mode = #tpu.pipeline_mode<synchronous>, transform_indices = @transform_3, window_bounds = array<i64: 1, 128>}, {pipeline_mode = #tpu.pipeline_mode<synchronous>, transform_indices = @transform_4, window_bounds = array<i64: 1, 128>}, {transform_indices = @transform_5, window_bounds = array<i64: 1000, 32>}, {pipeline_mode = #tpu.pipeline_mode<synchronous>, transform_indices = @transform_6, window_bounds = array<i64: 128, 128>}, {pipeline_mode = #tpu.pipeline_mode<synchronous>, transform_indices = @transform_7, window_bounds = array<i64: 1, 128>}, {pipeline_mode = #tpu.pipeline_mode<synchronous>, transform_indices = @transform_8, window_bounds = array<i64: 1, 128>}, {transform_indices = @transform_9, window_bounds = array<i64: 8000, 128>}, {transform_indices = @transform_10, window_bounds = array<i64: 1000, 128>}]} {
    %get3A = arith.constant 0 : index
    %get3A_0 = arith.constant 0 : index
    %get3A_1 = vector.load %arg6[%get3A, %get3A_0] : memref<1000x32xf32, #tpu.memory_space<vmem>>, vector<1000x32xf32>
    %reduce_sum3A = arith.constant dense<0.000000e+00> : vector<1000xf32>
    %reduce_sum3A_2 = vector.multi_reduction <add>, %get3A_1, %reduce_sum3A [1] : vector<1000x32xf32> to vector<1000xf32>
    %add3A = arith.constant 1.000000e+00 : f32
    %add3A_3 = vector.broadcast %add3A : f32 to vector<1000xf32>
    %add3A_4 = arith.addf %reduce_sum3A_2, %add3A_3 : vector<1000xf32>
    %rsqrt3A = math.rsqrt %add3A_4 : vector<1000xf32>
    %div3A = arith.constant 1.000000e+00 : f32
    %div3A_5 = vector.broadcast %div3A : f32 to vector<1000xf32>
    %div3A_6 = arith.divf %div3A_5, %add3A_4 : vector<1000xf32>
    %get3A_7 = arith.constant 0 : index
    %get3A_8 = arith.constant 0 : index
    %get3A_9 = vector.load %arg1[%get3A_7, %get3A_8] : memref<1000x128xf32, #tpu.memory_space<vmem>>, vector<1000x128xf32>
    %get3A_10 = arith.constant 0 : index
    %get3A_11 = arith.constant 0 : index
    %get3A_12 = vector.load %arg2[%get3A_10, %get3A_11] : memref<1000x128xf32, #tpu.memory_space<vmem>>, vector<1000x128xf32>
    %get3A_13 = arith.constant 0 : index
    %get3A_14 = arith.constant 0 : index
    %get3A_15 = vector.load %arg3[%get3A_13, %get3A_14] : memref<1000x128xf32, #tpu.memory_space<vmem>>, vector<1000x128xf32>
    %get3A_16 = arith.constant 0 : index
    %get3A_17 = arith.constant 0 : index
    %get3A_18 = vector.load %arg4[%get3A_16, %get3A_17] : memref<1x128xf32, #tpu.memory_space<vmem>>, vector<1x128xf32>
    %get3A_19 = arith.constant 0 : index
    %get3A_20 = arith.constant 0 : index
    %get3A_21 = vector.load %arg5[%get3A_19, %get3A_20] : memref<1x128xf32, #tpu.memory_space<vmem>>, vector<1x128xf32>
    %add3A_22 = arith.addf %get3A_9, %get3A_12 : vector<1000x128xf32>
    %broadcast_in_dim3A = vector.shape_cast %rsqrt3A : vector<1000xf32> to vector<1000x1xf32>
    %mul3A = vector.broadcast %broadcast_in_dim3A : vector<1000x1xf32> to vector<1000x128xf32>
    %mul3A_23 = arith.mulf %add3A_22, %mul3A : vector<1000x128xf32>
    %add3A_24 = arith.addf %mul3A_23, %get3A_15 : vector<1000x128xf32>
    %mul3A_25 = arith.constant 0.999994993 : f32
    %mul3A_26 = vector.broadcast %mul3A_25 : f32 to vector<1x128xf32>
    %mul3A_27 = arith.mulf %get3A_18, %mul3A_26 : vector<1x128xf32>
    %mul3A_28 = vector.broadcast %mul3A_27 : vector<1x128xf32> to vector<1000x128xf32>
    %mul3A_29 = arith.mulf %add3A_24, %mul3A_28 : vector<1000x128xf32>
    %add3A_30 = vector.broadcast %get3A_21 : vector<1x128xf32> to vector<1000x128xf32>
    %add3A_31 = arith.addf %mul3A_29, %add3A_30 : vector<1000x128xf32>
    %max3A = arith.constant 0.000000e+00 : f32
    %max3A_32 = vector.broadcast %max3A : f32 to vector<1000x128xf32>
    %max3A_33 = arith.maximumf %add3A_31, %max3A_32 : vector<1000x128xf32>
    %get3A_34 = arith.constant 0 : index
    %get3A_35 = arith.constant 0 : index
    %get3A_36 = vector.load %arg7[%get3A_34, %get3A_35] : memref<128x128xf32, #tpu.memory_space<vmem>>, vector<128x128xf32>
    %dot_general3A = arith.constant dense<0.000000e+00> : vector<1000x128xf32>
    %dot_general3A_37 = tpu.matmul %max3A_33, %get3A_36, %dot_general3A {dimension_numbers = #tpu.dot_dimension_numbers<[1], [1], [0], [0], [0, 0, 1, 0], [], []>, transpose_lhs_hint = false} : vector<1000x128xf32>, vector<128x128xf32>, vector<1000x128xf32> -> vector<1000x128xf32>
    %get3A_38 = arith.constant 0 : index
    %get3A_39 = arith.constant 0 : index
    %get3A_40 = vector.load %arg8[%get3A_38, %get3A_39] : memref<1x128xf32, #tpu.memory_space<vmem>>, vector<1x128xf32>
    %add3A_41 = vector.broadcast %get3A_40 : vector<1x128xf32> to vector<1000x128xf32>
    %add3A_42 = arith.addf %dot_general3A_37, %add3A_41 : vector<1000x128xf32>
    %get3A_43 = arith.constant 0 : index
    %get3A_44 = arith.constant 0 : index
    %get3A_45 = vector.load %arg9[%get3A_43, %get3A_44] : memref<1x128xf32, #tpu.memory_space<vmem>>, vector<1x128xf32>
    %add3A_46 = vector.broadcast %get3A_45 : vector<1x128xf32> to vector<1000x128xf32>
    %add3A_47 = arith.addf %add3A_42, %add3A_46 : vector<1000x128xf32>
    %max3A_48 = arith.constant 0.000000e+00 : f32
    %max3A_49 = vector.broadcast %max3A_48 : f32 to vector<1000x128xf32>
    %max3A_50 = arith.maximumf %add3A_47, %max3A_49 : vector<1000x128xf32>
    %broadcast_in_dim3A_51 = vector.shape_cast %div3A_6 : vector<1000xf32> to vector<1000x1xf32>
    %mul3A_52 = vector.broadcast %broadcast_in_dim3A_51 : vector<1000x1xf32> to vector<1000x128xf32>
    %mul3A_53 = arith.mulf %max3A_50, %mul3A_52 : vector<1000x128xf32>
    %swap3A = arith.constant 0 : index
    %swap3A_54 = arith.constant 0 : index
    %swap3A_55 = vector.load %arg11[%swap3A, %swap3A_54] : memref<1000x128xf32, #tpu.memory_space<vmem>>, vector<1000x128xf32>
    tpu.vector_store %arg11[%swap3A, %swap3A_54], %mul3A_53 {strides = array<i32>} : memref<1000x128xf32, #tpu.memory_space<vmem>>, vector<1000x128xf32>,
    %iota3A = tpu.iota {dimensions = array<i32: 1>} : vector<1000x8x128xi32>
    %convert_element_type3A = arith.sitofp %iota3A : vector<1000x8x128xi32> to vector<1000x8x128xf32>
    %broadcast_in_dim3A_56 = vector.shape_cast %add3A_42 : vector<1000x128xf32> to vector<1000x1x128xf32>
    %add3A_57 = vector.broadcast %broadcast_in_dim3A_56 : vector<1000x1x128xf32> to vector<1000x8x128xf32>
    %add3A_58 = arith.addf %add3A_57, %convert_element_type3A : vector<1000x8x128xf32>
    %max3A_59 = arith.constant 0.000000e+00 : f32
    %max3A_60 = vector.broadcast %max3A_59 : f32 to vector<1000x8x128xf32>
    %max3A_61 = arith.maximumf %add3A_58, %max3A_60 : vector<1000x8x128xf32>
    %broadcast_in_dim3A_62 = vector.shape_cast %rsqrt3A : vector<1000xf32> to vector<1000x1x1xf32>
    %mul3A_63 = vector.broadcast %broadcast_in_dim3A_62 : vector<1000x1x1xf32> to vector<1000x8x128xf32>
    %mul3A_64 = arith.mulf %max3A_61, %mul3A_63 : vector<1000x8x128xf32>
    %reshape3A = vector.shape_cast %mul3A_64 : vector<1000x8x128xf32> to vector<8000x128xf32>
    %swap3A_65 = arith.constant 0 : index
    %swap3A_66 = arith.constant 0 : index
    %swap3A_67 = vector.load %arg10[%swap3A_65, %swap3A_66] : memref<8000x128xf32, #tpu.memory_space<vmem>>, vector<8000x128xf32>
    tpu.vector_store %arg10[%swap3A_65, %swap3A_66], %reshape3A {strides = array<i32>} : memref<8000x128xf32, #tpu.memory_space<vmem>>, vector<8000x128xf32>,
    return
  }
  func.func @transform_0(%arg0: i32) -> (i32, i32) {
    %c0_i32 = arith.constant 0 : i32
    %c0_i32_0 = arith.constant 0 : i32
    return %arg0, %c0_i32 : i32, i32
  }
  func.func @transform_1(%arg0: i32) -> (i32, i32) {
    %c0_i32 = arith.constant 0 : i32
    %c0_i32_0 = arith.constant 0 : i32
    return %arg0, %c0_i32 : i32, i32
  }
  func.func @transform_2(%arg0: i32) -> (i32, i32) {
    %c0_i32 = arith.constant 0 : i32
    %c0_i32_0 = arith.constant 0 : i32
    return %arg0, %c0_i32 : i32, i32
  }
  func.func @transform_3(%arg0: i32) -> (i32, i32) {
    %c0_i32 = arith.constant 0 : i32
    %c0_i32_0 = arith.constant 0 : i32
    %c0_i32_1 = arith.constant 0 : i32
    return %c0_i32, %c0_i32_0 : i32, i32
  }
  func.func @transform_4(%arg0: i32) -> (i32, i32) {
    %c0_i32 = arith.constant 0 : i32
    %c0_i32_0 = arith.constant 0 : i32
    %c0_i32_1 = arith.constant 0 : i32
    return %c0_i32, %c0_i32_0 : i32, i32
  }
  func.func @transform_5(%arg0: i32) -> (i32, i32) {
    %c0_i32 = arith.constant 0 : i32
    %c0_i32_0 = arith.constant 0 : i32
    return %arg0, %c0_i32 : i32, i32
  }
  func.func @transform_6(%arg0: i32) -> (i32, i32) {
    %c0_i32 = arith.constant 0 : i32
    %c0_i32_0 = arith.constant 0 : i32
    %c0_i32_1 = arith.constant 0 : i32
    return %c0_i32, %c0_i32_0 : i32, i32
  }
  func.func @transform_7(%arg0: i32) -> (i32, i32) {
    %c0_i32 = arith.constant 0 : i32
    %c0_i32_0 = arith.constant 0 : i32
    %c0_i32_1 = arith.constant 0 : i32
    return %c0_i32, %c0_i32_0 : i32, i32
  }
  func.func @transform_8(%arg0: i32) -> (i32, i32) {
    %c0_i32 = arith.constant 0 : i32
    %c0_i32_0 = arith.constant 0 : i32
    %c0_i32_1 = arith.constant 0 : i32
    return %c0_i32, %c0_i32_0 : i32, i32
  }
  func.func @transform_9(%arg0: i32) -> (i32, i32) {
    %c0_i32 = arith.constant 0 : i32
    %c0_i32_0 = arith.constant 0 : i32
    return %arg0, %c0_i32 : i32, i32
  }
  func.func @transform_10(%arg0: i32) -> (i32, i32) {
    %c0_i32 = arith.constant 0 : i32
    %c0_i32_0 = arith.constant 0 : i32
    return %arg0, %c0_i32 : i32, i32
  }
}

module attributes {stable_mosaic.version = 14 : i64} {
  func.func @_k_post_body(%arg0: i32, %arg1: memref<1000x128xf32, #tpu.memory_space<vmem>>, %arg2: memref<1000x128xf32, #tpu.memory_space<vmem>>, %arg3: memref<1000x128xf32, #tpu.memory_space<vmem>>, %arg4: memref<1x128xf32, #tpu.memory_space<vmem>>, %arg5: memref<1x128xf32, #tpu.memory_space<vmem>>, %arg6: memref<1000x32xf32, #tpu.memory_space<vmem>>, %arg7: memref<1000x128xf32, #tpu.memory_space<vmem>>) attributes {dimension_semantics = [#tpu.dimension_semantics<arbitrary>], iteration_bounds = array<i64: 10>, scalar_prefetch = 0 : i64, scratch_operands = 0 : i64, tpu.core_type = #tpu.core_type<tc>, window_params = [{transform_indices = @transform_0, window_bounds = array<i64: 1000, 128>}, {transform_indices = @transform_1, window_bounds = array<i64: 1000, 128>}, {transform_indices = @transform_2, window_bounds = array<i64: 1000, 128>}, {pipeline_mode = #tpu.pipeline_mode<synchronous>, transform_indices = @transform_3, window_bounds = array<i64: 1, 128>}, {pipeline_mode = #tpu.pipeline_mode<synchronous>, transform_indices = @transform_4, window_bounds = array<i64: 1, 128>}, {transform_indices = @transform_5, window_bounds = array<i64: 1000, 32>}, {transform_indices = @transform_6, window_bounds = array<i64: 1000, 128>}]} {
    %get3A = arith.constant 0 : index
    %get3A_0 = arith.constant 0 : index
    %get3A_1 = vector.load %arg6[%get3A, %get3A_0] : memref<1000x32xf32, #tpu.memory_space<vmem>>, vector<1000x32xf32>
    %reduce_sum3A = arith.constant dense<0.000000e+00> : vector<1000xf32>
    %reduce_sum3A_2 = vector.multi_reduction <add>, %get3A_1, %reduce_sum3A [1] : vector<1000x32xf32> to vector<1000xf32>
    %add3A = arith.constant 1.000000e+00 : f32
    %add3A_3 = vector.broadcast %add3A : f32 to vector<1000xf32>
    %add3A_4 = arith.addf %reduce_sum3A_2, %add3A_3 : vector<1000xf32>
    %rsqrt3A = math.rsqrt %add3A_4 : vector<1000xf32>
    %get3A_5 = arith.constant 0 : index
    %get3A_6 = arith.constant 0 : index
    %get3A_7 = vector.load %arg1[%get3A_5, %get3A_6] : memref<1000x128xf32, #tpu.memory_space<vmem>>, vector<1000x128xf32>
    %get3A_8 = arith.constant 0 : index
    %get3A_9 = arith.constant 0 : index
    %get3A_10 = vector.load %arg2[%get3A_8, %get3A_9] : memref<1000x128xf32, #tpu.memory_space<vmem>>, vector<1000x128xf32>
    %get3A_11 = arith.constant 0 : index
    %get3A_12 = arith.constant 0 : index
    %get3A_13 = vector.load %arg3[%get3A_11, %get3A_12] : memref<1000x128xf32, #tpu.memory_space<vmem>>, vector<1000x128xf32>
    %get3A_14 = arith.constant 0 : index
    %get3A_15 = arith.constant 0 : index
    %get3A_16 = vector.load %arg4[%get3A_14, %get3A_15] : memref<1x128xf32, #tpu.memory_space<vmem>>, vector<1x128xf32>
    %get3A_17 = arith.constant 0 : index
    %get3A_18 = arith.constant 0 : index
    %get3A_19 = vector.load %arg5[%get3A_17, %get3A_18] : memref<1x128xf32, #tpu.memory_space<vmem>>, vector<1x128xf32>
    %add3A_20 = arith.addf %get3A_7, %get3A_10 : vector<1000x128xf32>
    %broadcast_in_dim3A = vector.shape_cast %rsqrt3A : vector<1000xf32> to vector<1000x1xf32>
    %mul3A = vector.broadcast %broadcast_in_dim3A : vector<1000x1xf32> to vector<1000x128xf32>
    %mul3A_21 = arith.mulf %add3A_20, %mul3A : vector<1000x128xf32>
    %add3A_22 = arith.addf %mul3A_21, %get3A_13 : vector<1000x128xf32>
    %mul3A_23 = arith.constant 0.999994993 : f32
    %mul3A_24 = vector.broadcast %mul3A_23 : f32 to vector<1x128xf32>
    %mul3A_25 = arith.mulf %get3A_16, %mul3A_24 : vector<1x128xf32>
    %mul3A_26 = vector.broadcast %mul3A_25 : vector<1x128xf32> to vector<1000x128xf32>
    %mul3A_27 = arith.mulf %add3A_22, %mul3A_26 : vector<1000x128xf32>
    %add3A_28 = vector.broadcast %get3A_19 : vector<1x128xf32> to vector<1000x128xf32>
    %add3A_29 = arith.addf %mul3A_27, %add3A_28 : vector<1000x128xf32>
    %swap3A = arith.constant 0 : index
    %swap3A_30 = arith.constant 0 : index
    %swap3A_31 = vector.load %arg7[%swap3A, %swap3A_30] : memref<1000x128xf32, #tpu.memory_space<vmem>>, vector<1000x128xf32>
    tpu.vector_store %arg7[%swap3A, %swap3A_30], %add3A_29 {strides = array<i32>} : memref<1000x128xf32, #tpu.memory_space<vmem>>, vector<1000x128xf32>,
    return
  }
  func.func @transform_0(%arg0: i32) -> (i32, i32) {
    %c0_i32 = arith.constant 0 : i32
    %c0_i32_0 = arith.constant 0 : i32
    return %arg0, %c0_i32 : i32, i32
  }
  func.func @transform_1(%arg0: i32) -> (i32, i32) {
    %c0_i32 = arith.constant 0 : i32
    %c0_i32_0 = arith.constant 0 : i32
    return %arg0, %c0_i32 : i32, i32
  }
  func.func @transform_2(%arg0: i32) -> (i32, i32) {
    %c0_i32 = arith.constant 0 : i32
    %c0_i32_0 = arith.constant 0 : i32
    return %arg0, %c0_i32 : i32, i32
  }
  func.func @transform_3(%arg0: i32) -> (i32, i32) {
    %c0_i32 = arith.constant 0 : i32
    %c0_i32_0 = arith.constant 0 : i32
    %c0_i32_1 = arith.constant 0 : i32
    return %c0_i32, %c0_i32_0 : i32, i32
  }
  func.func @transform_4(%arg0: i32) -> (i32, i32) {
    %c0_i32 = arith.constant 0 : i32
    %c0_i32_0 = arith.constant 0 : i32
    %c0_i32_1 = arith.constant 0 : i32
    return %c0_i32, %c0_i32_0 : i32, i32
  }
  func.func @transform_5(%arg0: i32) -> (i32, i32) {
    %c0_i32 = arith.constant 0 : i32
    %c0_i32_0 = arith.constant 0 : i32
    return %arg0, %c0_i32 : i32, i32
  }
  func.func @transform_6(%arg0: i32) -> (i32, i32) {
    %c0_i32 = arith.constant 0 : i32
    %c0_i32_0 = arith.constant 0 : i32
    return %arg0, %c0_i32 : i32, i32
  }
}

</mosaic_0001>

<sc_bundles>
// kernel: kernel.11.cloned.1.call-start
scs
__scs_entry_jumppad:
0x0: {  	(pc) =	sbr.rel $0x88, $3  }
0x1: {  	(tag) =	ssettag $0x0;
	lr =	simm.s32 $0x1  }
0x2: {  	[smem:$0x3F94] =	sst lr;
	_ =	strace $0xD0000000  }
0x3: {  	_ = 	snop  }
0x4: {  	_ = 	snop  }
0x5: {  	_ = 	snop  }
0x6: {  	_ = 	snop  }
0x7: {  	_ = 	snop  }
__scs_overlays_trampoline_lowered:
0x8: {  	[smem:$0x3FA3] =	sst s0  }
0x9: {  	[smem:$0x3FA4] =	sst s1  }
0xa: {  	[smem:$0x3FA5] =	sst s2  }
0xb: {  	[smem:$0x3FA6] =	sst s3  }
0xc: {  	[smem:$0x3FA7] =	sst s4  }
0xd: {  	[smem:$0x3FA8] =	sst s5  }
0xe: {  	[smem:$0x3FA9] =	sst s6  }
0xf: {  	[smem:$0x3FAA] =	sst s7  }
0x10: {  	[smem:$0x3FAB] =	sst s8  }
0x11: {  	[smem:$0x3FAC] =	sst s9;
	s0 =	simm.s32 @!p0 $0x0  }
0x12: {  	s1 =	sld [smem:$0x3F92];
	s0 =	simm.s32 @p0 $0x1  }
0x13: {  	[smem:$0x3FAD] =	sst s0;
	s0 =	simm.s32 @!p1 $0x0  }
0x14: {  	s2 =	sld [smem:$0x3F91];
	s0 =	simm.s32 @p1 $0x1  }
0x15: {  	[smem:$0x3FAE] =	sst s0;
	s0 =	simm.s32 @!p2 $0x0  }
0x16: {  	s3 =	sld [smem:$0x3FDB];
	s0 =	simm.s32 @p2 $0x1  }
0x17: {  	s4 =	simm.s32 $0x1BF5;
	[smem:$0x3FB0] =	sst s0  }
0x18: {  	s0 =	sld [smem:$0x3F93];
	_ =	swait.ge [sflag:s4], $0x0  }
0x19: {  	s7 =	sld [smem:$0x3F94]  }
0x1a: {  	s8 =	sadd.s32 $0xFFFFE003, lr  }
0x1b: {  	s9 =	sadd.s32 $0xFFFFFEF7, lr;
	s5 =	simm.s32 $0xFFFFFFFF;
	p2 =	slt.u32 s8, $0xFFFFF086  }
0x1c: {  	p1 =	slt.u32 s9, $0xF7A;
	s5 =	simm.s32 @!p2 $0x0  }
0x1d: {  	s5 =	simm.s32 @p1 $0x1;
	p0 =	seq.s32 s7, s2  }
0x1e: {  	s7 =	smul.u32 @!p0 $0xF7A, s2;
	p2 =	seq.s32 @!p0 s5, $0x0  }
0x1f: {  	s9 =	smul.u32 $0xF7A, s1;
	s8 =	simm.s32 @!p0 $0x1BF5;
	p2 =	por !p2, p0  }
0x20: {  	[sflag:s8] =	ssyncset.s32 @!p0 $0xFFFFF086;
	s6 =	sadd.s32 @!p0 s3, s7;
	s7 =	simm.s32 @!p0 $0x108  }
0x21: {  	s3 =	sadd.s32 s3, s9;
	s6 =	sadd.s32 @!p0 $0x88, s6;
	s7 =	simm.s32 @p2 $0x1082  }
0x22: {  	[simem:s7], [sflag:s8] =	dma.local @!p0 [hbm:s6], $0xF7A  }
0x23: {  	s9 =	sor.u32 $0xD0000000, s2;
	s6 =	simm.s32 $0x108;
	_ =	swait.ge @!p0 [sflag:s8], $0x0  }
0x24: {  	s3 =	sadd.s32 $0x88, s3;
	s6 =	simm.s32 @!p1 $0x1082;
	[sflag:s4] =	ssyncset.s32 $0xFFFFF086  }
0x25: {  	[simem:s6], [sflag:s4] =	dma.local [hbm:s3], $0xF7A  }
0x26: {  	[smem:$0x3F94] =	sst s1;
	(tag) =	ssettag s2;
	_ =	strace s9  }
0x27: {  	s1 =	sld [smem:$0x3FA4]  }
0x28: {  	s2 =	sld [smem:$0x3FA5]  }
0x29: {  	s4 =	sld [smem:$0x3FA7]  }
0x2a: {  	p0 =	seq.s32 s5, $0x0;
	s5 =	sld [smem:$0x3FA8]  }
0x2b: {  	s6 =	sld [smem:$0x3FA9]  }
0x2c: {  	s7 =	sld [smem:$0x3FAA]  }
0x2d: {  	s3 =	simm.s32 $0x108;
	s8 =	sld [smem:$0x3FAB]  }
0x2e: {  	s3 =	simm.s32 @!p0 $0x1082;
	s9 =	sld [smem:$0x3FAC]  }
0x2f: {  	lr =	sadd.s32 s0, s3;
	s0 =	sld [smem:$0x3FA3]  }
0x30: {  	s3 =	sld [smem:$0x3FA6]  }
0x31: {  	[smem:$0x3FAF] =	sst s10  }
0x32: {  	s10 =	sld [smem:$0x3FAD];
	_ =	sdelay $0x3  }
0x33: {  	p0 =	seq.s32 s10, $0x1;
	s10 =	sld [smem:$0x3FAF];
	_ =	sdelay $0x3  }
0x34: {  	[smem:$0x3FAF] =	sst s10  }
0x35: {  	s10 =	sld [smem:$0x3FAE];
	_ =	sdelay $0x3  }
0x36: {  	p1 =	seq.s32 s10, $0x1;
	s10 =	sld [smem:$0x3FAF];
	_ =	sdelay $0x3  }
0x37: {  	[smem:$0x3FAF] =	sst s10  }
0x38: {  	s10 =	sld [smem:$0x3FB0]  }
0x39: {  	_ = 	snop;
	(pc) =	sbr.ind lr, $3  }
0x3a: {  	_ = 	snop  }
0x3b: {  	_ = 	snop  }
0x3c: {  	p2 =	seq.s32 s10, $0x1;
	s10 =	sld [smem:$0x3FAF]  }
0x3d: {  	_ =	shalt  }
0x3e: {  	_ =	shalt  }
0x3f: {  	_ =	shalt  }
0x40: {  	_ =	shalt  }
0x41: {  	_ =	shalt  }
0x42: {  	_ =	shalt  }
0x43: {  	_ =	shalt  }
0x44: {  	_ =	shalt  }
0x45: {  	_ =	shalt  }
0x46: {  	_ =	shalt  }
0x47: {  	_ =	shalt  }
0x48: {  	_ =	shalt  }
0x49: {  	_ =	shalt  }
0x4a: {  	_ =	shalt  }
0x4b: {  	_ =	shalt  }
0x4c: {  	_ =	shalt  }
0x4d: {  	_ =	shalt  }
0x4e: {  	_ =	shalt  }
0x4f: {  	_ =	shalt  }
0x50: {  	_ =	shalt  }
0x51: {  	_ =	shalt  }
0x52: {  	_ =	shalt  }
0x53: {  	_ =	shalt  }
0x54: {  	_ =	shalt  }
0x55: {  	_ =	shalt  }
0x56: {  	_ =	shalt  }
0x57: {  	_ =	shalt  }
0x58: {  	_ =	shalt  }
0x59: {  	_ =	shalt  }
0x5a: {  	_ =	shalt  }
0x5b: {  	_ =	shalt  }
0x5c: {  	_ =	shalt  }
0x5d: {  	_ =	shalt  }
0x5e: {  	_ =	shalt  }
0x5f: {  	_ =	shalt  }
0x60: {  	_ =	shalt  }
0x61: {  	_ =	shalt  }
0x62: {  	_ =	shalt  }
0x63: {  	_ =	shalt  }
0x64: {  	_ =	shalt  }
0x65: {  	_ =	shalt  }
0x66: {  	_ =	shalt  }
0x67: {  	_ =	shalt  }
0x68: {  	_ =	shalt  }
0x69: {  	_ =	shalt  }
0x6a: {  	_ =	shalt  }
0x6b: {  	_ =	shalt  }
0x6c: {  	_ =	shalt  }
0x6d: {  	_ =	shalt  }
0x6e: {  	_ =	shalt  }
0x6f: {  	_ =	shalt  }
0x70: {  	_ =	shalt  }
0x71: {  	_ =	shalt  }
0x72: {  	_ =	shalt  }
0x73: {  	_ =	shalt  }
0x74: {  	_ =	shalt  }
0x75: {  	_ =	shalt  }
0x76: {  	_ =	shalt  }
0x77: {  	_ =	shalt  }
0x78: {  	_ =	shalt  }
0x79: {  	_ =	shalt  }
0x7a: {  	_ =	shalt  }
0x7b: {  	_ =	shalt  }
0x7c: {  	_ =	shalt  }
0x7d: {  	_ =	shalt  }
0x7e: {  	_ =	shalt  }
0x7f: {  	_ =	shalt  }
0x80: {  	_ =	shalt  }
0x81: {  	_ =	shalt  }
0x82: {  	_ =	shalt  }
0x83: {  	_ =	shalt  }
0x84: {  	_ =	shalt  }
0x85: {  	_ =	shalt  }
0x86: {  	_ =	shalt  }
0x87: {  	_ =	shalt  }
.Lfunc_end0:
.L_simem_size_0:
called_computation.1_lowered:
.L_overlay_start_0:
0x88: {  	s2 =	sld [smem:$0x3FD9]  }
0x89: {  	s3 =	sld [smem:$0x3FFE];
	_ =	sdelay $0x1  }
0x8a: {  	s1 =	srdreg.scid  }
0x8b: {  	s0 =	sand.u32 $0x1, s1  }
0x8c: {  	s17 =	sshll.u32 s0, $0xA;
	s2 =	sadd.s32 s3, s2  }
0x8d: {  	s2 =	sadd.s32 s2, s17  }
0x8e: {  	[smem:$0x3FBB] =	sst s2  }
0x8f: {  	_ = 	snop  }
0x90: {  	s2 =	sld [smem:$0x3FD0];
	(tm) =	ssettm $0x1  }
0x91: {  	s18 =	sld [smem:$0x3FFB];
	_ =	sdelay $0x3  }
0x92: {  	_ =	strace s18  }
0x93: {  	s3 =	sld [smem:$0x3FFC];
	_ =	sdelay $0x3  }
0x94: {  	_ =	strace s3  }
0x95: {  	s3 =	sld [smem:$0x3FFD];
	_ =	sdelay $0x3  }
0x96: {  	_ =	strace s3  }
0x97: {  	_ =	strace $0x8FFFFFFF  }
0x98: {  	s19 =	sld [smem:$0x3FDB];
	_ =	sdelay $0x1  }
0x99: {  	s4 =	simm.s32 $_scs_section_size  }
0x9a: {  	s5 =	simm.s32 $_size__tile_overlayer_lowered;
	s6 =	simm.s32 $_tile_overlayer_lowered  }
0x9b: {  	s22 =	simm.s32 $0x1BFF;
	s21 =	sshll.u32 s6, $0x1;
	s3 =	sadd.s32 s4, s19  }
0x9c: {  	s7 =	simm.s32 $0x0;
	s20 =	sshll.u32 s5, $0x1;
	s5 =	sadd.s32 s21, s3  }
0x9d: {  	[timem:s7], [sflag:s22] =	dma.local [hbm:s5], s20  }
0x9e: {  	_ =	swait.ge [sflag:s22], s20  }
0x9f: {  	s4 =	ssub.s32 $0x0, s20;
	[sflag:s22] =	ssyncset.done $0x0  }
0xa0: {  	[sflag:s22] =	ssyncadd.s32 s4;
	_ =	sdelay $0x1  }
0xa1: {  	s23 =	simm.s32 $0x1B8B  }
0xa2: {  	_ =	swait.ge [sflag:s23], $0x1  }
0xa3: {  	[sflag:s23] =	ssyncset.done $0x0  }
0xa4: {  	s25 =	simm.s32 $0x1B8E;
	s24 =	sld [smem:$0x3FFE];
	[sflag:s23] =	ssyncadd.s32 $0xFFFFFFFF  }
0xa5: {  	s26 =	simm.s32 $execute0_lowered;
	[smem:$0x3FD2] =	sst s25  }
0xa6: {  	s5 =	sshll.u32 s26, $0x1;
	_ =	strace $0x80000049;
	[dreg:$0x1] =	wrdreg $0xFFFFFFFF  }
0xa7: {  	s28 =	simm.s32 $_size_execute0_lowered;
	s3 =	sadd.s32 s3, s5;
	[dreg:$0x0] =	wrdreg $0x0  }
0xa8: {  	s5 =	sshll.u32 s28, $0x1;
	[dreg:$0x2] =	wrdreg s3  }
0xa9: {  	[dreg:$0x3] =	wrdreg s5  }
0xaa: {  	[dreg:$0x4] =	wrdreg $0xC0  }
0xab: {  	_ =	task [dreg:s7], $0x5FFFF  }
0xac: {  	[dreg:$0x1] =	wrdreg $0xFFFFFFFF  }
0xad: {  	[dreg:$0x0] =	wrdreg $0x60  }
0xae: {  	[dreg:$0x2] =	wrdreg s24  }
0xaf: {  	[dreg:$0x3] =	wrdreg s2  }
0xb0: {  	[dreg:$0x4] =	wrdreg $0x0  }
0xb1: {  	[dreg:$0x5] =	wrdreg $0x9  }
0xb2: {  	_ =	task.clear_ibuf [dreg:s7], $0x6FFFF;
	_ =	strace $0x90000049  }
0xb3: {  	s29 =	simm.s32 $0x9;
	_ =	strace $0x8000004B  }
0xb4: {  	_ =	swait.ge [sflag:s29], $0x1  }
0xb5: {  	[sflag:s29] =	ssyncadd.s32 $0xFFFFFFFF  }
0xb6: {  	_ =	strace $0x9000004B  }
0xb7: {  	_ =	sfence  }
0xb8: {  	s30 =	sld [smem:$0x0];
	_ =	sdelay $0x2  }
0xb9: {  	s31 =	sshll.u32 s1, $0xD;
	s1 =	sshrl.u32 s1, $0x2  }
0xba: {  	s3 =	sand.u32 $0x4000, s31;
	s1 =	sadd.s32 s1, s30  }
0xbb: {  	s0 =	sor.u32 s3, s0;
	s1 =	sshll.u32 s1, $0x11  }
0xbc: {  	s0 =	sor.u32 s1, s0  }
0xbd: {  	s0 =	sadd.s32 $0x8F2B, s0  }
0xbe: {  	[sflag:s0] =	ssyncadd.remote.s32 $0x1  }
0xbf: {  	_ =	sfence.sel $0xFFFF  }
0xc0: {  	[dreg:$0x0] =	wrdreg $0xFFFFFFFF;
	(pc) =	sbr.abs _section_cstart, $3  }
0xc1: {  	[dreg:$0x1] =	wrdreg $0xFFFFFFFF  }
0xc2: {  	_ =	task.clear_ibuf [dreg:s7], $0x2FFFF;
	_ =	strace $0x9FFFFFFF  }
0xc3: {  	(tm) =	ssettm $0x7FFFFFFF  }
tec
execute0_lowered:
.L_overlay_start_1:
0x0: {  	(tag) =	ssettag $0x1  }
0x1: {  	s0 =	rddreg [dreg:$0x0]  }
0x2: {  	s3 =	rddreg [dreg:$0x2]  }
0x3: {  	s1 =	srdreg.scid;
	s9 =	stileid.u32;
	s4 =	simm.s32 $0x0  }
0x4: {  	s10 =	simm.s32 $0x1;
	s11 =	simm.s32 $0x2;
	s12 =	simm.s32 $0x4  }
0x5: {  	s13 =	simm.s32 $0x0;
	s1 =	sand.u32 $0x1, s1;
	s2 =	sshll.u32 s9, $0x1  }
0x6: {  	[smem:$0x7FF] =	sst s4;
	s6 =	smul.u32 $0x50000, s9;
	s5 =	sadd.s32 $0x49600, s0  }
0x7: {  	s26 =	smul.u32 $0x2800, s9;
	s9 =	simm.s32 $0x1C620;
	s2 =	sor.u32 s1, s2  }
0x8: {  	_ =	strace $0x8000004A;
	s7 =	ssub.s32 $0x2, s1;
	p0 =	seq.s32 s1, $0x0  }
0x9: {  	s1 =	simm.s32 $0x181E00;
	s2 =	smul.u32 $0x4E2, s2;
	s8 =	sshrl.u32 s7, $0x1  }
0xa: {  	s6 =	sshrl.u32 s6, $0x2;
	s1 =	simm.s32 @!p0 $0x1A9E00;
	s7 =	ssub.s32 s7, s8  }
0xb: {  	s15 =	sadd.s32 s6, s3;
	s8 =	simm.s32 $0x19E20;
	s16 =	smax.u32 s7, $0x1  }
0xc: {  	s2 =	sadd.s32 s2, s0;
	s17 =	sadd.s32 $0x1000, s15;
	[dreg:$0x6] =	wrdreg s16  }
0xd: {  	s18 =	sadd.s32 $0x2000, s15;
	s19 =	sadd.s32 $0x3000, s15;
	[dreg:$0x7] =	wrdreg s17  }
0xe: {  	s20 =	sadd.s32 $0x4000, s15;
	s21 =	sadd.s32 $0x5000, s15;
	[dreg:$0x8] =	wrdreg s18  }
0xf: {  	s22 =	sadd.s32 $0x6000, s15;
	s23 =	sadd.s32 $0x7000, s15;
	[dreg:$0x9] =	wrdreg s19  }
0x10: {  	s24 =	sadd.s32 $0x8000, s15;
	s25 =	sadd.s32 $0x9000, s15;
	[dreg:$0xa] =	wrdreg s20  }
0x11: {  	s0 =	sadd.s32 s1, s0;
	s28 =	sadd.s32 $0x10000, s15;
	[dreg:$0xb] =	wrdreg s21  }
0x12: {  	s29 =	sadd.s32 $0x11000, s15;
	s30 =	sadd.s32 $0x12000, s15;
	[dreg:$0xc] =	wrdreg s22  }
0x13: {  	s31 =	sadd.s32 $0x13000, s15;
	s1 =	simm.s32 $0x3;
	[dreg:$0xd] =	wrdreg s23  }
0x14: {  	s7 =	simm.s32 $0x50;
	s14 =	sadd.s32 $0x17800, s2;
	[dreg:$0xe] =	wrdreg s24  }
0x15: {  	s2 =	sadd.s32 $0xDA00, s2;
	[dreg:$0xf] =	wrdreg s25;
	s19 =	sadd.s32 $0xA000, s15  }
0x16: {  	s20 =	sadd.s32 $0xB000, s15;
	s21 =	sadd.s32 $0xC000, s15;
	s22 =	sadd.s32 $0xD000, s15  }
0x17: {  	s23 =	sadd.s32 $0xE000, s15;
	s24 =	sadd.s32 s26, s0;
	s25 =	simm.s32 $0x4  }
0x18: {  	s26 =	sadd.s32 $0xF000, s15;
	s0 =	simm.s32 $0x14000;
	[dreg:$0x4] =	wrdreg s14  }
0x19: {  	[dreg:$0x5] =	wrdreg s2;
	s25 =	simm.s32 @!p0 $0x3;
	s2 =	simm.s32 $0x15000  }
.LBB2_1:
0x1a: {  	s6 =	rddreg [dreg:$0x1]  }
0x1b: {  	[tilespmem:s0], [sflag:$0x3] =	stream.linear.gather [hbm4b:s6+s4], $0x1000, $0x38;
	[tilespmem:$0x1EE20] =	vst v63  }
0x1c: {  	_ =	swait.ge [sflag:s1], $0x1000  }
0x1d: {  	[sflag:s1] =	ssyncset.done $0x0  }
0x1e: {  	[sflag:s1] =	ssyncadd.s32 $0xFFFFF000  }
0x1f: {  	[spmem:s15] =	stream.linear.scatter [tilespmem:s0], [sflag:$0x3], $0x1000, $0x38;
	[tilespmem:$0x1EE20] =	vst v63  }
0x20: {  	_ =	swait.ge [sflag:s1], $0x1000  }
0x21: {  	[sflag:s1] =	ssyncset.done $0x0  }
0x22: {  	s16 =	rddreg [dreg:$0x7];
	[sflag:s1] =	ssyncadd.s32 $0xFFFFF000  }
0x23: {  	[spmem:s16] =	stream.linear.scatter [tilespmem:s0], [sflag:$0x3], $0x1000, $0x38;
	[tilespmem:$0x1EE20] =	vst v63  }
0x24: {  	_ =	swait.ge [sflag:s1], $0x1000  }
0x25: {  	[sflag:s1] =	ssyncset.done $0x0  }
0x26: {  	s17 =	rddreg [dreg:$0x8];
	[sflag:s1] =	ssyncadd.s32 $0xFFFFF000  }
0x27: {  	[spmem:s17] =	stream.linear.scatter [tilespmem:s0], [sflag:$0x3], $0x1000, $0x38;
	[tilespmem:$0x1EE20] =	vst v63  }
0x28: {  	_ =	swait.ge [sflag:s1], $0x1000  }
0x29: {  	[sflag:s1] =	ssyncset.done $0x0  }
0x2a: {  	s18 =	rddreg [dreg:$0x9];
	[sflag:s1] =	ssyncadd.s32 $0xFFFFF000  }
0x2b: {  	[spmem:s18] =	stream.linear.scatter [tilespmem:s0], [sflag:$0x3], $0x1000, $0x38;
	[tilespmem:$0x1EE20] =	vst v63  }
0x2c: {  	_ =	swait.ge [sflag:s1], $0x1000  }
0x2d: {  	[sflag:s1] =	ssyncset.done $0x0  }
0x2e: {  	s14 =	rddreg [dreg:$0xa];
	[sflag:s1] =	ssyncadd.s32 $0xFFFFF000  }
0x2f: {  	[spmem:s14] =	stream.linear.scatter [tilespmem:s0], [sflag:$0x3], $0x1000, $0x38;
	[tilespmem:$0x1EE20] =	vst v63  }
0x30: {  	_ =	swait.ge [sflag:s1], $0x1000  }
0x31: {  	[sflag:s1] =	ssyncset.done $0x0  }
0x32: {  	s16 =	rddreg [dreg:$0xb];
	[sflag:s1] =	ssyncadd.s32 $0xFFFFF000  }
0x33: {  	[spmem:s16] =	stream.linear.scatter [tilespmem:s0], [sflag:$0x3], $0x1000, $0x38;
	[tilespmem:$0x1EE20] =	vst v63  }
0x34: {  	_ =	swait.ge [sflag:s1], $0x1000  }
0x35: {  	[sflag:s1] =	ssyncset.done $0x0  }
0x36: {  	s17 =	rddreg [dreg:$0xc];
	[sflag:s1] =	ssyncadd.s32 $0xFFFFF000  }
0x37: {  	[spmem:s17] =	stream.linear.scatter [tilespmem:s0], [sflag:$0x3], $0x1000, $0x38;
	[tilespmem:$0x1EE20] =	vst v63  }
0x38: {  	_ =	swait.ge [sflag:s1], $0x1000  }
0x39: {  	[sflag:s1] =	ssyncset.done $0x0  }
0x3a: {  	s18 =	rddreg [dreg:$0xd];
	[sflag:s1] =	ssyncadd.s32 $0xFFFFF000  }
0x3b: {  	[spmem:s18] =	stream.linear.scatter [tilespmem:s0], [sflag:$0x3], $0x1000, $0x38;
	[tilespmem:$0x1EE20] =	vst v63  }
0x3c: {  	_ =	swait.ge [sflag:s1], $0x1000  }
0x3d: {  	[sflag:s1] =	ssyncset.done $0x0  }
0x3e: {  	s14 =	rddreg [dreg:$0xe];
	[sflag:s1] =	ssyncadd.s32 $0xFFFFF000  }
0x3f: {  	[spmem:s14] =	stream.linear.scatter [tilespmem:s0], [sflag:$0x3], $0x1000, $0x38;
	[tilespmem:$0x1EE20] =	vst v63  }
0x40: {  	_ =	swait.ge [sflag:s1], $0x1000  }
0x41: {  	[sflag:s1] =	ssyncset.done $0x0  }
0x42: {  	s16 =	rddreg [dreg:$0xf];
	[sflag:s1] =	ssyncadd.s32 $0xFFFFF000  }
0x43: {  	[spmem:s16] =	stream.linear.scatter [tilespmem:s0], [sflag:$0x3], $0x1000, $0x38;
	[tilespmem:$0x1EE20] =	vst v63  }
0x44: {  	_ =	swait.ge [sflag:s1], $0x1000  }
0x45: {  	[sflag:s1] =	ssyncset.done $0x0  }
0x46: {  	[sflag:s1] =	ssyncadd.s32 $0xFFFFF000  }
0x47: {  	[spmem:s19] =	stream.linear.scatter [tilespmem:s0], [sflag:$0x3], $0x1000, $0x38;
	[tilespmem:$0x1EE20] =	vst v63  }
0x48: {  	_ =	swait.ge [sflag:s1], $0x1000  }
0x49: {  	[sflag:s1] =	ssyncset.done $0x0  }
0x4a: {  	[sflag:s1] =	ssyncadd.s32 $0xFFFFF000  }
0x4b: {  	[spmem:s20] =	stream.linear.scatter [tilespmem:s0], [sflag:$0x3], $0x1000, $0x38;
	[tilespmem:$0x1EE20] =	vst v63  }
0x4c: {  	_ =	swait.ge [sflag:s1], $0x1000  }
0x4d: {  	[sflag:s1] =	ssyncset.done $0x0  }
0x4e: {  	[sflag:s1] =	ssyncadd.s32 $0xFFFFF000  }
0x4f: {  	[spmem:s21] =	stream.linear.scatter [tilespmem:s0], [sflag:$0x3], $0x1000, $0x38;
	[tilespmem:$0x1EE20] =	vst v63  }
0x50: {  	_ =	swait.ge [sflag:s1], $0x1000  }
0x51: {  	[sflag:s1] =	ssyncset.done $0x0  }
0x52: {  	[sflag:s1] =	ssyncadd.s32 $0xFFFFF000  }
0x53: {  	[spmem:s22] =	stream.linear.scatter [tilespmem:s0], [sflag:$0x3], $0x1000, $0x38;
	[tilespmem:$0x1EE20] =	vst v63  }
0x54: {  	_ =	swait.ge [sflag:s1], $0x1000  }
0x55: {  	[sflag:s1] =	ssyncset.done $0x0  }
0x56: {  	[sflag:s1] =	ssyncadd.s32 $0xFFFFF000  }
0x57: {  	[spmem:s23] =	stream.linear.scatter [tilespmem:s0], [sflag:$0x3], $0x1000, $0x38;
	[tilespmem:$0x1EE20] =	vst v63  }
0x58: {  	_ =	swait.ge [sflag:s1], $0x1000  }
0x59: {  	[sflag:s1] =	ssyncset.done $0x0  }
0x5a: {  	[sflag:s1] =	ssyncadd.s32 $0xFFFFF000  }
0x5b: {  	[spmem:s26] =	stream.linear.scatter [tilespmem:s0], [sflag:$0x3], $0x1000, $0x38;
	[tilespmem:$0x1EE20] =	vst v63  }
0x5c: {  	_ =	swait.ge [sflag:s1], $0x1000  }
0x5d: {  	[sflag:s1] =	ssyncset.done $0x0  }
0x5e: {  	[sflag:s1] =	ssyncadd.s32 $0xFFFFF000  }
0x5f: {  	[spmem:s28] =	stream.linear.scatter [tilespmem:s0], [sflag:$0x3], $0x1000, $0x38;
	[tilespmem:$0x1EE20] =	vst v63  }
0x60: {  	_ =	swait.ge [sflag:s1], $0x1000  }
0x61: {  	[sflag:s1] =	ssyncset.done $0x0  }
0x62: {  	[sflag:s1] =	ssyncadd.s32 $0xFFFFF000  }
0x63: {  	[spmem:s29] =	stream.linear.scatter [tilespmem:s0], [sflag:$0x3], $0x1000, $0x38;
	[tilespmem:$0x1EE20] =	vst v63  }
0x64: {  	_ =	swait.ge [sflag:s1], $0x1000  }
0x65: {  	[sflag:s1] =	ssyncset.done $0x0  }
0x66: {  	[sflag:s1] =	ssyncadd.s32 $0xFFFFF000  }
0x67: {  	[spmem:s30] =	stream.linear.scatter [tilespmem:s0], [sflag:$0x3], $0x1000, $0x38;
	[tilespmem:$0x1EE20] =	vst v63  }
0x68: {  	_ =	swait.ge [sflag:s1], $0x1000  }
0x69: {  	[sflag:s1] =	ssyncset.done $0x0  }
0x6a: {  	[sflag:s1] =	ssyncadd.s32 $0xFFFFF000  }
0x6b: {  	[spmem:s31] =	stream.linear.scatter [tilespmem:s0], [sflag:$0x3], $0x1000, $0x38;
	[tilespmem:$0x1EE20] =	vst v63  }
0x6c: {  	_ =	swait.ge [sflag:s1], $0x1000  }
0x6d: {  	[sflag:s1] =	ssyncset.done $0x0  }
0x6e: {  	s17 =	rddreg [dreg:$0x4];
	[sflag:s1] =	ssyncadd.s32 $0xFFFFF000  }
0x6f: {  	[tilespmem:s2], [sflag:$0x3] =	stream.linear.gather [hbm4b:s17+s4], $0x2710, $0x38;
	[tilespmem:$0x1EE20] =	vst v63  }
0x70: {  	_ =	swait.ge [sflag:s1], $0x2710  }
0x71: {  	[sflag:s1] =	ssyncset.done $0x0  }
0x72: {  	s14 =	simm.s32 $0x17710;
	s18 =	rddreg [dreg:$0x5];
	[sflag:s1] =	ssyncadd.s32 $0xFFFFD8F0  }
0x73: {  	[tilespmem:s14], [sflag:$0x3] =	stream.linear.gather [hbm4b:s18+s4], $0x2710, $0x38;
	[tilespmem:$0x1EE20] =	vst v63  }
0x74: {  	_ =	swait.ge [sflag:s1], $0x2710  }
0x75: {  	[sflag:s1] =	ssyncset.done $0x0  }
0x76: {  	[sflag:s1] =	ssyncadd.s32 $0xFFFFD8F0  }
0x77: {  	[bflag:$0x0] =	sbarrier.arrive $0xFFFF  }
0x78: {  	[tilespmem:s8], [sflag:$0x1] =	stream.indirect.gather [hbm4b:s5+s7], $0x80, s2, s7, $0xb8;
	[tilespmem:$0x1EE20] =	vst v63  }
0x79: {  	s14 =	simm.s32 $0x15050  }
0x7a: {  	[tilespmem:s9], [sflag:$0x2] =	stream.indirect.gather [hbm4b:s5+s7], $0x80, s14, s7, $0xb8;
	[tilespmem:$0x1EE20] =	vst v63  }
0x7b: {  	_ =	swait.ge [sflag:s10], $0x2800  }
0x7c: {  	[sflag:s10] =	ssyncset.done $0x0  }
0x7d: {  	s16 =	simm.s32 $0x17710;
	[sflag:s10] =	ssyncadd.s32 $0xFFFFD800  }
0x7e: {  	[spmem:s3] =	stream.indirect.scatter.add.f32 [tilespmem:s8], [sflag:$0x3], $0x80, s16, s7, $0xb8;
	[tilespmem:$0x1EE20] =	vst v63  }
0x7f: {  	_ =	swait.ge [sflag:s1], $0x2800  }
0x80: {  	[sflag:s1] =	ssyncset.done $0x0  }
0x81: {  	s17 =	simm.s32 $0x150A0;
	[sflag:s1] =	ssyncadd.s32 $0xFFFFD800  }
0x82: {  	[tilespmem:s8], [sflag:$0x1] =	stream.indirect.gather [hbm4b:s5+s7], $0x80, s17, s7, $0xb8;
	[tilespmem:$0x1EE20] =	vst v63  }
0x83: {  	_ =	swait.ge [sflag:s11], $0x2800  }
0x84: {  	[sflag:s11] =	ssyncset.done $0x0  }
0x85: {  	s18 =	simm.s32 $0x17760;
	[sflag:s11] =	ssyncadd.s32 $0xFFFFD800  }
0x86: {  	[spmem:s3] =	stream.indirect.scatter.add.f32 [tilespmem:s9], [sflag:$0x3], $0x80, s18, s7, $0xb8;
	[tilespmem:$0x1EE20] =	vst v63  }
0x87: {  	_ =	swait.ge [sflag:s1], $0x2800  }
0x88: {  	s6 =	simm.s32 $0x500;
	s14 =	simm.s32 $0xA0;
	[sflag:s1] =	ssyncset.done $0x0  }
.LBB2_2:
0x89: {  	s16 =	sadd.s32 $0x15050, s14  }
0x8a: {  	[sflag:s1] =	ssyncadd.s32 $0xFFFFD800;
	s17 =	smov.u32 s6;
	s18 =	sadd.s32 $0x280, s6  }
0x8b: {  	[tilespmem:s9], [sflag:$0x2] =	stream.indirect.gather [hbm4b:s5+s7], $0x80, s16, s7, $0xb8;
	[tilespmem:$0x1EE20] =	vst v63  }
0x8c: {  	p0 =	sne.s32 s6, $0x9880;
	_ =	swait.ge [sflag:s10], $0x2800  }
0x8d: {  	[sflag:s10] =	ssyncset.done $0x0  }
0x8e: {  	s6 =	sadd.s32 $0x17710, s14;
	[sflag:s10] =	ssyncadd.s32 $0xFFFFD800  }
0x8f: {  	[spmem:s3] =	stream.indirect.scatter.add.f32 [tilespmem:s8], [sflag:$0x3], $0x80, s6, s7, $0xb8;
	[tilespmem:$0x1EE20] =	vst v63  }
0x90: {  	_ =	swait.ge [sflag:s1], $0x2800  }
0x91: {  	[sflag:s1] =	ssyncset.done $0x0  }
0x92: {  	s6 =	sadd.s32 $0x150A0, s14;
	[sflag:s1] =	ssyncadd.s32 $0xFFFFD800  }
0x93: {  	[tilespmem:s8], [sflag:$0x1] =	stream.indirect.gather [hbm4b:s5+s7], $0x80, s6, s7, $0xb8;
	[tilespmem:$0x1EE20] =	vst v63  }
0x94: {  	_ =	swait.ge [sflag:s11], $0x2800  }
.Ltmp0:
0x95: {  	[sflag:s11] =	ssyncset.done $0x0;
	(pc) =	sbr.rel @p0 .LBB2_2-.Ltmp0, $4  }
0x96: {  	s6 =	sadd.s32 $0x17760, s14;
	[sflag:s11] =	ssyncadd.s32 $0xFFFFD800  }
0x97: {  	[spmem:s3] =	stream.indirect.scatter.add.f32 [tilespmem:s9], [sflag:$0x3], $0x80, s6, s7, $0xb8;
	[tilespmem:$0x1EE20] =	vst v63  }
0x98: {  	_ =	swait.ge [sflag:s1], $0x2800  }
0x99: {  	s14 =	sshra.s32 s17, $0x2;
	s6 =	smov.u32 s18;
	[sflag:s1] =	ssyncset.done $0x0  }
0x9a: {  	s6 =	sadd.s32 $0x15050, s14;
	[sflag:s1] =	ssyncadd.s32 $0xFFFFD800  }
0x9b: {  	[tilespmem:s9], [sflag:$0x2] =	stream.indirect.gather [hbm4b:s5+s7], $0x80, s6, s7, $0xb8;
	[tilespmem:$0x1EE20] =	vst v63  }
0x9c: {  	_ =	swait.ge [sflag:s10], $0x2800  }
0x9d: {  	[sflag:s10] =	ssyncset.done $0x0  }
0x9e: {  	s17 =	sadd.s32 $0x17710, s14;
	[sflag:s10] =	ssyncadd.s32 $0xFFFFD800  }
0x9f: {  	[spmem:s3] =	stream.indirect.scatter.add.f32 [tilespmem:s8], [sflag:$0x3], $0x80, s17, s7, $0xb8;
	[tilespmem:$0x1EE20] =	vst v63  }
0xa0: {  	_ =	swait.ge [sflag:s1], $0x2800  }
0xa1: {  	[sflag:s1] =	ssyncset.done $0x0  }
0xa2: {  	s18 =	sadd.s32 $0x150A0, s14;
	[sflag:s1] =	ssyncadd.s32 $0xFFFFD800  }
0xa3: {  	[tilespmem:s8], [sflag:$0x1] =	stream.indirect.gather [hbm4b:s5+s7], $0x80, s18, s7, $0xb8;
	[tilespmem:$0x1EE20] =	vst v63  }
0xa4: {  	_ =	swait.ge [sflag:s11], $0x2800  }
0xa5: {  	[sflag:s11] =	ssyncset.done $0x0  }
0xa6: {  	s16 =	sadd.s32 $0x17760, s14;
	[sflag:s11] =	ssyncadd.s32 $0xFFFFD800  }
0xa7: {  	[spmem:s3] =	stream.indirect.scatter.add.f32 [tilespmem:s9], [sflag:$0x3], $0x80, s16, s7, $0xb8;
	[tilespmem:$0x1EE20] =	vst v63  }
0xa8: {  	_ =	swait.ge [sflag:s1], $0x2800  }
0xa9: {  	[sflag:s1] =	ssyncset.done $0x0  }
0xaa: {  	[sflag:s1] =	ssyncadd.s32 $0xFFFFD800  }
0xab: {  	_ =	swait.ge [sflag:s10], $0x2800  }
0xac: {  	[sflag:s10] =	ssyncset.done $0x0  }
0xad: {  	s17 =	simm.s32 $0x19DD0;
	[sflag:s10] =	ssyncadd.s32 $0xFFFFD800  }
0xae: {  	[spmem:s3] =	stream.indirect.scatter.add.f32 [tilespmem:s8], [sflag:$0x3], $0x80, s17, s7, $0xb8;
	[tilespmem:$0x1EE20] =	vst v63  }
0xaf: {  	_ =	swait.ge [sflag:s1], $0x2800  }
0xb0: {  	[sflag:s1] =	ssyncset.done $0x0  }
0xb1: {  	[sflag:s1] =	ssyncadd.s32 $0xFFFFD800  }
0xb2: {  	[bflag:$0x0] =	sbarrier.arrive $0xFFFF  }
0xb3: {  	[tilespmem:s0], [sflag:$0x4] =	stream.linear.gather [spmem:s15], $0x1000, $0x38;
	[tilespmem:$0x1EE20] =	vst v63  }
0xb4: {  	_ =	swait.ge [sflag:s12], $0x1000  }
0xb5: {  	[sflag:s12] =	ssyncset.done $0x0  }
0xb6: {  	s18 =	sadd.s32 $0x0, s24;
	[sflag:s12] =	ssyncadd.s32 $0xFFFFF000  }
0xb7: {  	[hbm4b:s18+s4] =	stream.linear.scatter [tilespmem:s0], [sflag:s25], $0x1000, $0x38;
	[tilespmem:$0x1EE20] =	vst v63  }
0xb8: {  	_ =	swait.ge [sflag:s25], $0x1000  }
0xb9: {  	s14 =	simm.s32 $0x200;
	s6 =	smov.u32 s15;
	[sflag:s25] =	ssyncset.done $0x0  }
.LBB2_4:
0xba: {  	p0 =	sne.s32 s14, $0x2600;
	[sflag:s25] =	ssyncadd.s32 $0xFFFFF000;
	s6 =	sadd.s32 $0x1000, s6  }
0xbb: {  	[tilespmem:s0], [sflag:$0x4] =	stream.linear.gather [spmem:s6], $0x1000, $0x38;
	[tilespmem:$0x1EE20] =	vst v63  }
0xbc: {  	s16 =	smov.u32 s14;
	s14 =	sadd.s32 $0x200, s14;
	_ =	swait.ge [sflag:s12], $0x1000  }
.Ltmp1:
0xbd: {  	[sflag:s12] =	ssyncset.done $0x0;
	(pc) =	sbr.rel @p0 .LBB2_4-.Ltmp1, $4  }
0xbe: {  	s16 =	sadd.s32 s16, s24;
	[sflag:s12] =	ssyncadd.s32 $0xFFFFF000  }
0xbf: {  	[hbm4b:s16+s4] =	stream.linear.scatter [tilespmem:s0], [sflag:s25], $0x1000, $0x38;
	[tilespmem:$0x1EE20] =	vst v63  }
0xc0: {  	_ =	swait.ge [sflag:s25], $0x1000  }
0xc1: {  	[sflag:s25] =	ssyncset.done $0x0  }
0xc2: {  	s13 =	sadd.s32 $0x1, s13;
	s6 =	rddreg [dreg:$0x6]  }
0xc3: {  	p0 =	sne.s32 s13, s6  }
.Ltmp2:
0xc4: {  	_ = 	snop;
	(pc) =	sbr.rel @p0 .LBB2_1-.Ltmp2, $2  }
0xc5: {  	_ =	sdelay $0x2  }
0xc6: {  	[sflag:s25] =	ssyncadd.s32 $0xFFFFF000  }
0xc7: {  	_ =	sfence.sel $0x180000  }
0xc8: {  	[bflag:$0x0] =	sbarrier.arrive $0xFFFF  }
0xc9: {  	_ =	strace $0x9000004A  }
0xca: {  	s0 =	stileid.u32;
	[bflag:$0x2] =	sbarrier.arrive $0xFFFF  }
0xcb: {  	p0 =	sne.s32 s0, $0x0;
	s0 =	rddreg [dreg:$0x3]  }
0xcc: {  	s0 =	sadd.s32 @!p0 $0x100000, s0  }
0xcd: {  	[sflag:s0] =	ssyncadd.tile.s32 @!p0 $0x1;
	_ =	shalt  }
.Lfunc_end2:
_tile_overlayer_lowered:
.L_overlay_start_2:
0xce: {  	(tag) =	ssettag $0x2  }
0xcf: {  	s0 =	rddreg [dreg:$0x0];
	s2 =	stileid.u32  }
0xd0: {  	s1 =	rddreg [dreg:$0x1];
	p0 =	sne.s32 s2, $0x0  }
0xd1: {  	s3 =	rddreg [dreg:$0x2];
	[bflag:$0x3] =	sbarrier.arrive $0xFFFF;
	s2 =	simm.s32 @!p0 $0x1C03  }
0xd2: {  	[timem:s3], [sflag:s2] =	dma.local @!p0 [hbm:s0], s1  }
0xd3: {  	s0 =	simm.s32 @!p0 $0x3  }
0xd4: {  	_ =	swait.ge @!p0 [sflag:s0], s1  }
0xd5: {  	s1 =	ssub.s32 @!p0 $0x0, s1;
	[sflag:s0] =	ssyncset.done @!p0 $0x0  }
0xd6: {  	[sflag:s0] =	ssyncadd.s32 @!p0 s1  }
0xd7: {  	[bflag:$0x3] =	sbarrier.arrive $0xFFFF  }
0xd8: {  	_ =	shalt  }

// kernel: kernel.14.cloned.1.call-start
scs
__scs_entry_jumppad:
0x0: {  	(pc) =	sbr.rel $0x88, $3  }
0x1: {  	(tag) =	ssettag $0x0;
	lr =	simm.s32 $0x1  }
0x2: {  	[smem:$0x3F94] =	sst lr;
	_ =	strace $0xD0000000  }
0x3: {  	_ = 	snop  }
0x4: {  	_ = 	snop  }
0x5: {  	_ = 	snop  }
0x6: {  	_ = 	snop  }
0x7: {  	_ = 	snop  }
__scs_overlays_trampoline_lowered:
0x8: {  	[smem:$0x3FA3] =	sst s0  }
0x9: {  	[smem:$0x3FA4] =	sst s1  }
0xa: {  	[smem:$0x3FA5] =	sst s2  }
0xb: {  	[smem:$0x3FA6] =	sst s3  }
0xc: {  	[smem:$0x3FA7] =	sst s4  }
0xd: {  	[smem:$0x3FA8] =	sst s5  }
0xe: {  	[smem:$0x3FA9] =	sst s6  }
0xf: {  	[smem:$0x3FAA] =	sst s7  }
0x10: {  	[smem:$0x3FAB] =	sst s8  }
0x11: {  	[smem:$0x3FAC] =	sst s9;
	s0 =	simm.s32 @!p0 $0x0  }
0x12: {  	s1 =	sld [smem:$0x3F92];
	s0 =	simm.s32 @p0 $0x1  }
0x13: {  	[smem:$0x3FAD] =	sst s0;
	s0 =	simm.s32 @!p1 $0x0  }
0x14: {  	s2 =	sld [smem:$0x3F91];
	s0 =	simm.s32 @p1 $0x1  }
0x15: {  	[smem:$0x3FAE] =	sst s0;
	s0 =	simm.s32 @!p2 $0x0  }
0x16: {  	s3 =	sld [smem:$0x3FDB];
	s0 =	simm.s32 @p2 $0x1  }
0x17: {  	s4 =	simm.s32 $0x1BF5;
	[smem:$0x3FB0] =	sst s0  }
0x18: {  	s0 =	sld [smem:$0x3F93];
	_ =	swait.ge [sflag:s4], $0x0  }
0x19: {  	s7 =	sld [smem:$0x3F94]  }
0x1a: {  	s8 =	sadd.s32 $0xFFFFE003, lr  }
0x1b: {  	s9 =	sadd.s32 $0xFFFFFEF7, lr;
	s5 =	simm.s32 $0xFFFFFFFF;
	p2 =	slt.u32 s8, $0xFFFFF086  }
0x1c: {  	p1 =	slt.u32 s9, $0xF7A;
	s5 =	simm.s32 @!p2 $0x0  }
0x1d: {  	s5 =	simm.s32 @p1 $0x1;
	p0 =	seq.s32 s7, s2  }
0x1e: {  	s7 =	smul.u32 @!p0 $0xF7A, s2;
	p2 =	seq.s32 @!p0 s5, $0x0  }
0x1f: {  	s9 =	smul.u32 $0xF7A, s1;
	s8 =	simm.s32 @!p0 $0x1BF5;
	p2 =	por !p2, p0  }
0x20: {  	[sflag:s8] =	ssyncset.s32 @!p0 $0xFFFFF086;
	s6 =	sadd.s32 @!p0 s3, s7;
	s7 =	simm.s32 @!p0 $0x108  }
0x21: {  	s3 =	sadd.s32 s3, s9;
	s6 =	sadd.s32 @!p0 $0x88, s6;
	s7 =	simm.s32 @p2 $0x1082  }
0x22: {  	[simem:s7], [sflag:s8] =	dma.local @!p0 [hbm:s6], $0xF7A  }
0x23: {  	s9 =	sor.u32 $0xD0000000, s2;
	s6 =	simm.s32 $0x108;
	_ =	swait.ge @!p0 [sflag:s8], $0x0  }
0x24: {  	s3 =	sadd.s32 $0x88, s3;
	s6 =	simm.s32 @!p1 $0x1082;
	[sflag:s4] =	ssyncset.s32 $0xFFFFF086  }
0x25: {  	[simem:s6], [sflag:s4] =	dma.local [hbm:s3], $0xF7A  }
0x26: {  	[smem:$0x3F94] =	sst s1;
	(tag) =	ssettag s2;
	_ =	strace s9  }
0x27: {  	s1 =	sld [smem:$0x3FA4]  }
0x28: {  	s2 =	sld [smem:$0x3FA5]  }
0x29: {  	s4 =	sld [smem:$0x3FA7]  }
0x2a: {  	p0 =	seq.s32 s5, $0x0;
	s5 =	sld [smem:$0x3FA8]  }
0x2b: {  	s6 =	sld [smem:$0x3FA9]  }
0x2c: {  	s7 =	sld [smem:$0x3FAA]  }
0x2d: {  	s3 =	simm.s32 $0x108;
	s8 =	sld [smem:$0x3FAB]  }
0x2e: {  	s3 =	simm.s32 @!p0 $0x1082;
	s9 =	sld [smem:$0x3FAC]  }
0x2f: {  	lr =	sadd.s32 s0, s3;
	s0 =	sld [smem:$0x3FA3]  }
0x30: {  	s3 =	sld [smem:$0x3FA6]  }
0x31: {  	[smem:$0x3FAF] =	sst s10  }
0x32: {  	s10 =	sld [smem:$0x3FAD];
	_ =	sdelay $0x3  }
0x33: {  	p0 =	seq.s32 s10, $0x1;
	s10 =	sld [smem:$0x3FAF];
	_ =	sdelay $0x3  }
0x34: {  	[smem:$0x3FAF] =	sst s10  }
0x35: {  	s10 =	sld [smem:$0x3FAE];
	_ =	sdelay $0x3  }
0x36: {  	p1 =	seq.s32 s10, $0x1;
	s10 =	sld [smem:$0x3FAF];
	_ =	sdelay $0x3  }
0x37: {  	[smem:$0x3FAF] =	sst s10  }
0x38: {  	s10 =	sld [smem:$0x3FB0]  }
0x39: {  	_ = 	snop;
	(pc) =	sbr.ind lr, $3  }
0x3a: {  	_ = 	snop  }
0x3b: {  	_ = 	snop  }
0x3c: {  	p2 =	seq.s32 s10, $0x1;
	s10 =	sld [smem:$0x3FAF]  }
0x3d: {  	_ =	shalt  }
0x3e: {  	_ =	shalt  }
0x3f: {  	_ =	shalt  }
0x40: {  	_ =	shalt  }
0x41: {  	_ =	shalt  }
0x42: {  	_ =	shalt  }
0x43: {  	_ =	shalt  }
0x44: {  	_ =	shalt  }
0x45: {  	_ =	shalt  }
0x46: {  	_ =	shalt  }
0x47: {  	_ =	shalt  }
0x48: {  	_ =	shalt  }
0x49: {  	_ =	shalt  }
0x4a: {  	_ =	shalt  }
0x4b: {  	_ =	shalt  }
0x4c: {  	_ =	shalt  }
0x4d: {  	_ =	shalt  }
0x4e: {  	_ =	shalt  }
0x4f: {  	_ =	shalt  }
0x50: {  	_ =	shalt  }
0x51: {  	_ =	shalt  }
0x52: {  	_ =	shalt  }
0x53: {  	_ =	shalt  }
0x54: {  	_ =	shalt  }
0x55: {  	_ =	shalt  }
0x56: {  	_ =	shalt  }
0x57: {  	_ =	shalt  }
0x58: {  	_ =	shalt  }
0x59: {  	_ =	shalt  }
0x5a: {  	_ =	shalt  }
0x5b: {  	_ =	shalt  }
0x5c: {  	_ =	shalt  }
0x5d: {  	_ =	shalt  }
0x5e: {  	_ =	shalt  }
0x5f: {  	_ =	shalt  }
0x60: {  	_ =	shalt  }
0x61: {  	_ =	shalt  }
0x62: {  	_ =	shalt  }
0x63: {  	_ =	shalt  }
0x64: {  	_ =	shalt  }
0x65: {  	_ =	shalt  }
0x66: {  	_ =	shalt  }
0x67: {  	_ =	shalt  }
0x68: {  	_ =	shalt  }
0x69: {  	_ =	shalt  }
0x6a: {  	_ =	shalt  }
0x6b: {  	_ =	shalt  }
0x6c: {  	_ =	shalt  }
0x6d: {  	_ =	shalt  }
0x6e: {  	_ =	shalt  }
0x6f: {  	_ =	shalt  }
0x70: {  	_ =	shalt  }
0x71: {  	_ =	shalt  }
0x72: {  	_ =	shalt  }
0x73: {  	_ =	shalt  }
0x74: {  	_ =	shalt  }
0x75: {  	_ =	shalt  }
0x76: {  	_ =	shalt  }
0x77: {  	_ =	shalt  }
0x78: {  	_ =	shalt  }
0x79: {  	_ =	shalt  }
0x7a: {  	_ =	shalt  }
0x7b: {  	_ =	shalt  }
0x7c: {  	_ =	shalt  }
0x7d: {  	_ =	shalt  }
0x7e: {  	_ =	shalt  }
0x7f: {  	_ =	shalt  }
0x80: {  	_ =	shalt  }
0x81: {  	_ =	shalt  }
0x82: {  	_ =	shalt  }
0x83: {  	_ =	shalt  }
0x84: {  	_ =	shalt  }
0x85: {  	_ =	shalt  }
0x86: {  	_ =	shalt  }
0x87: {  	_ =	shalt  }
.Lfunc_end0:
.L_simem_size_0:
called_computation.2_lowered:
.L_overlay_start_0:
0x88: {  	s2 =	sld [smem:$0x3FD9]  }
0x89: {  	s3 =	sld [smem:$0x3FFE];
	_ =	sdelay $0x1  }
0x8a: {  	s1 =	srdreg.scid  }
0x8b: {  	s0 =	sand.u32 $0x1, s1  }
0x8c: {  	s17 =	sshll.u32 s0, $0xA;
	s2 =	sadd.s32 s3, s2  }
0x8d: {  	s2 =	sadd.s32 s2, s17  }
0x8e: {  	[smem:$0x3FBB] =	sst s2  }
0x8f: {  	_ = 	snop  }
0x90: {  	s2 =	sld [smem:$0x3FD0];
	(tm) =	ssettm $0x1  }
0x91: {  	s18 =	sld [smem:$0x3FFB];
	_ =	sdelay $0x3  }
0x92: {  	_ =	strace s18  }
0x93: {  	s3 =	sld [smem:$0x3FFC];
	_ =	sdelay $0x3  }
0x94: {  	_ =	strace s3  }
0x95: {  	s3 =	sld [smem:$0x3FFD];
	_ =	sdelay $0x3  }
0x96: {  	_ =	strace s3  }
0x97: {  	_ =	strace $0x8FFFFFFF  }
0x98: {  	s19 =	sld [smem:$0x3FDB];
	_ =	sdelay $0x1  }
0x99: {  	s4 =	simm.s32 $_scs_section_size  }
0x9a: {  	s5 =	simm.s32 $_size__tile_overlayer_lowered;
	s6 =	simm.s32 $_tile_overlayer_lowered  }
0x9b: {  	s22 =	simm.s32 $0x1BFF;
	s21 =	sshll.u32 s6, $0x1;
	s3 =	sadd.s32 s4, s19  }
0x9c: {  	s7 =	simm.s32 $0x0;
	s20 =	sshll.u32 s5, $0x1;
	s5 =	sadd.s32 s21, s3  }
0x9d: {  	[timem:s7], [sflag:s22] =	dma.local [hbm:s5], s20  }
0x9e: {  	_ =	swait.ge [sflag:s22], s20  }
0x9f: {  	s4 =	ssub.s32 $0x0, s20;
	[sflag:s22] =	ssyncset.done $0x0  }
0xa0: {  	[sflag:s22] =	ssyncadd.s32 s4;
	_ =	sdelay $0x1  }
0xa1: {  	s23 =	simm.s32 $0x1B8B  }
0xa2: {  	_ =	swait.ge [sflag:s23], $0x1  }
0xa3: {  	[sflag:s23] =	ssyncset.done $0x0  }
0xa4: {  	s25 =	simm.s32 $0x1B8E;
	s24 =	sld [smem:$0x3FFE];
	[sflag:s23] =	ssyncadd.s32 $0xFFFFFFFF  }
0xa5: {  	s26 =	simm.s32 $execute0_lowered;
	[smem:$0x3FD2] =	sst s25  }
0xa6: {  	s5 =	sshll.u32 s26, $0x1;
	_ =	strace $0x8000004C;
	[dreg:$0x1] =	wrdreg $0xFFFFFFFF  }
0xa7: {  	s28 =	simm.s32 $_size_execute0_lowered;
	s3 =	sadd.s32 s3, s5;
	[dreg:$0x0] =	wrdreg $0x0  }
0xa8: {  	s5 =	sshll.u32 s28, $0x1;
	[dreg:$0x2] =	wrdreg s3  }
0xa9: {  	[dreg:$0x3] =	wrdreg s5  }
0xaa: {  	[dreg:$0x4] =	wrdreg $0xC0  }
0xab: {  	_ =	task [dreg:s7], $0x5FFFF  }
0xac: {  	[dreg:$0x1] =	wrdreg $0xFFFFFFFF  }
0xad: {  	[dreg:$0x0] =	wrdreg $0x60  }
0xae: {  	[dreg:$0x2] =	wrdreg s24  }
0xaf: {  	[dreg:$0x3] =	wrdreg s2  }
0xb0: {  	[dreg:$0x4] =	wrdreg $0x0  }
0xb1: {  	[dreg:$0x5] =	wrdreg $0x9  }
0xb2: {  	_ =	task.clear_ibuf [dreg:s7], $0x6FFFF;
	_ =	strace $0x9000004C  }
0xb3: {  	s29 =	simm.s32 $0x9;
	_ =	strace $0x8000004E  }
0xb4: {  	_ =	swait.ge [sflag:s29], $0x1  }
0xb5: {  	[sflag:s29] =	ssyncadd.s32 $0xFFFFFFFF  }
0xb6: {  	_ =	strace $0x9000004E  }
0xb7: {  	_ =	sfence  }
0xb8: {  	s30 =	sld [smem:$0x0];
	_ =	sdelay $0x2  }
0xb9: {  	s31 =	sshll.u32 s1, $0xD;
	s1 =	sshrl.u32 s1, $0x2  }
0xba: {  	s3 =	sand.u32 $0x4000, s31;
	s1 =	sadd.s32 s1, s30  }
0xbb: {  	s0 =	sor.u32 s3, s0;
	s1 =	sshll.u32 s1, $0x11  }
0xbc: {  	s0 =	sor.u32 s1, s0  }
0xbd: {  	s0 =	sadd.s32 $0x8F2B, s0  }
0xbe: {  	[sflag:s0] =	ssyncadd.remote.s32 $0x1  }
0xbf: {  	_ =	sfence.sel $0xFFFF  }
0xc0: {  	[dreg:$0x0] =	wrdreg $0xFFFFFFFF;
	(pc) =	sbr.abs _section_cstart, $3  }
0xc1: {  	[dreg:$0x1] =	wrdreg $0xFFFFFFFF  }
0xc2: {  	_ =	task.clear_ibuf [dreg:s7], $0x2FFFF;
	_ =	strace $0x9FFFFFFF  }
0xc3: {  	(tm) =	ssettm $0x7FFFFFFF  }
tec
execute0_lowered:
.L_overlay_start_1:
0x0: {  	(tag) =	ssettag $0x1  }
0x1: {  	s0 =	rddreg [dreg:$0x0]  }
0x2: {  	s3 =	rddreg [dreg:$0x2]  }
0x3: {  	s1 =	srdreg.scid;
	s9 =	stileid.u32;
	s4 =	simm.s32 $0x0  }
0x4: {  	s10 =	simm.s32 $0x1;
	s11 =	simm.s32 $0x2;
	s12 =	simm.s32 $0x4  }
0x5: {  	s13 =	simm.s32 $0x0;
	s1 =	sand.u32 $0x1, s1;
	s2 =	sshll.u32 s9, $0x1  }
0x6: {  	[smem:$0x7FF] =	sst s4;
	s6 =	smul.u32 $0x50000, s9;
	s5 =	sadd.s32 $0x49600, s0  }
0x7: {  	s26 =	smul.u32 $0x2800, s9;
	s9 =	simm.s32 $0x1C620;
	s2 =	sor.u32 s1, s2  }
0x8: {  	_ =	strace $0x8000004D;
	s7 =	ssub.s32 $0x2, s1;
	p0 =	seq.s32 s1, $0x0  }
0x9: {  	s1 =	simm.s32 $0x181E00;
	s2 =	smul.u32 $0x4E2, s2;
	s8 =	sshrl.u32 s7, $0x1  }
0xa: {  	s6 =	sshrl.u32 s6, $0x2;
	s1 =	simm.s32 @!p0 $0x1A9E00;
	s7 =	ssub.s32 s7, s8  }
0xb: {  	s15 =	sadd.s32 s6, s3;
	s8 =	simm.s32 $0x19E20;
	s16 =	smax.u32 s7, $0x1  }
0xc: {  	s2 =	sadd.s32 s2, s0;
	s17 =	sadd.s32 $0x1000, s15;
	[dreg:$0x6] =	wrdreg s16  }
0xd: {  	s18 =	sadd.s32 $0x2000, s15;
	s19 =	sadd.s32 $0x3000, s15;
	[dreg:$0x7] =	wrdreg s17  }
0xe: {  	s20 =	sadd.s32 $0x4000, s15;
	s21 =	sadd.s32 $0x5000, s15;
	[dreg:$0x8] =	wrdreg s18  }
0xf: {  	s22 =	sadd.s32 $0x6000, s15;
	s23 =	sadd.s32 $0x7000, s15;
	[dreg:$0x9] =	wrdreg s19  }
0x10: {  	s24 =	sadd.s32 $0x8000, s15;
	s25 =	sadd.s32 $0x9000, s15;
	[dreg:$0xa] =	wrdreg s20  }
0x11: {  	s0 =	sadd.s32 s1, s0;
	s28 =	sadd.s32 $0x10000, s15;
	[dreg:$0xb] =	wrdreg s21  }
0x12: {  	s29 =	sadd.s32 $0x11000, s15;
	s30 =	sadd.s32 $0x12000, s15;
	[dreg:$0xc] =	wrdreg s22  }
0x13: {  	s31 =	sadd.s32 $0x13000, s15;
	s1 =	simm.s32 $0x3;
	[dreg:$0xd] =	wrdreg s23  }
0x14: {  	s7 =	simm.s32 $0x50;
	s14 =	sadd.s32 $0x17800, s2;
	[dreg:$0xe] =	wrdreg s24  }
0x15: {  	s2 =	sadd.s32 $0xDA00, s2;
	[dreg:$0xf] =	wrdreg s25;
	s19 =	sadd.s32 $0xA000, s15  }
0x16: {  	s20 =	sadd.s32 $0xB000, s15;
	s21 =	sadd.s32 $0xC000, s15;
	s22 =	sadd.s32 $0xD000, s15  }
0x17: {  	s23 =	sadd.s32 $0xE000, s15;
	s24 =	sadd.s32 s26, s0;
	s25 =	simm.s32 $0x4  }
0x18: {  	s26 =	sadd.s32 $0xF000, s15;
	s0 =	simm.s32 $0x14000;
	[dreg:$0x4] =	wrdreg s14  }
0x19: {  	[dreg:$0x5] =	wrdreg s2;
	s25 =	simm.s32 @!p0 $0x3;
	s2 =	simm.s32 $0x15000  }
.LBB2_1:
0x1a: {  	s6 =	rddreg [dreg:$0x1]  }
0x1b: {  	[tilespmem:s0], [sflag:$0x3] =	stream.linear.gather [hbm4b:s6+s4], $0x1000, $0x38;
	[tilespmem:$0x1EE20] =	vst v63  }
0x1c: {  	_ =	swait.ge [sflag:s1], $0x1000  }
0x1d: {  	[sflag:s1] =	ssyncset.done $0x0  }
0x1e: {  	[sflag:s1] =	ssyncadd.s32 $0xFFFFF000  }
0x1f: {  	[spmem:s15] =	stream.linear.scatter [tilespmem:s0], [sflag:$0x3], $0x1000, $0x38;
	[tilespmem:$0x1EE20] =	vst v63  }
0x20: {  	_ =	swait.ge [sflag:s1], $0x1000  }
0x21: {  	[sflag:s1] =	ssyncset.done $0x0  }
0x22: {  	s16 =	rddreg [dreg:$0x7];
	[sflag:s1] =	ssyncadd.s32 $0xFFFFF000  }
0x23: {  	[spmem:s16] =	stream.linear.scatter [tilespmem:s0], [sflag:$0x3], $0x1000, $0x38;
	[tilespmem:$0x1EE20] =	vst v63  }
0x24: {  	_ =	swait.ge [sflag:s1], $0x1000  }
0x25: {  	[sflag:s1] =	ssyncset.done $0x0  }
0x26: {  	s17 =	rddreg [dreg:$0x8];
	[sflag:s1] =	ssyncadd.s32 $0xFFFFF000  }
0x27: {  	[spmem:s17] =	stream.linear.scatter [tilespmem:s0], [sflag:$0x3], $0x1000, $0x38;
	[tilespmem:$0x1EE20] =	vst v63  }
0x28: {  	_ =	swait.ge [sflag:s1], $0x1000  }
0x29: {  	[sflag:s1] =	ssyncset.done $0x0  }
0x2a: {  	s18 =	rddreg [dreg:$0x9];
	[sflag:s1] =	ssyncadd.s32 $0xFFFFF000  }
0x2b: {  	[spmem:s18] =	stream.linear.scatter [tilespmem:s0], [sflag:$0x3], $0x1000, $0x38;
	[tilespmem:$0x1EE20] =	vst v63  }
0x2c: {  	_ =	swait.ge [sflag:s1], $0x1000  }
0x2d: {  	[sflag:s1] =	ssyncset.done $0x0  }
0x2e: {  	s14 =	rddreg [dreg:$0xa];
	[sflag:s1] =	ssyncadd.s32 $0xFFFFF000  }
0x2f: {  	[spmem:s14] =	stream.linear.scatter [tilespmem:s0], [sflag:$0x3], $0x1000, $0x38;
	[tilespmem:$0x1EE20] =	vst v63  }
0x30: {  	_ =	swait.ge [sflag:s1], $0x1000  }
0x31: {  	[sflag:s1] =	ssyncset.done $0x0  }
0x32: {  	s16 =	rddreg [dreg:$0xb];
	[sflag:s1] =	ssyncadd.s32 $0xFFFFF000  }
0x33: {  	[spmem:s16] =	stream.linear.scatter [tilespmem:s0], [sflag:$0x3], $0x1000, $0x38;
	[tilespmem:$0x1EE20] =	vst v63  }
0x34: {  	_ =	swait.ge [sflag:s1], $0x1000  }
0x35: {  	[sflag:s1] =	ssyncset.done $0x0  }
0x36: {  	s17 =	rddreg [dreg:$0xc];
	[sflag:s1] =	ssyncadd.s32 $0xFFFFF000  }
0x37: {  	[spmem:s17] =	stream.linear.scatter [tilespmem:s0], [sflag:$0x3], $0x1000, $0x38;
	[tilespmem:$0x1EE20] =	vst v63  }
0x38: {  	_ =	swait.ge [sflag:s1], $0x1000  }
0x39: {  	[sflag:s1] =	ssyncset.done $0x0  }
0x3a: {  	s18 =	rddreg [dreg:$0xd];
	[sflag:s1] =	ssyncadd.s32 $0xFFFFF000  }
0x3b: {  	[spmem:s18] =	stream.linear.scatter [tilespmem:s0], [sflag:$0x3], $0x1000, $0x38;
	[tilespmem:$0x1EE20] =	vst v63  }
0x3c: {  	_ =	swait.ge [sflag:s1], $0x1000  }
0x3d: {  	[sflag:s1] =	ssyncset.done $0x0  }
0x3e: {  	s14 =	rddreg [dreg:$0xe];
	[sflag:s1] =	ssyncadd.s32 $0xFFFFF000  }
0x3f: {  	[spmem:s14] =	stream.linear.scatter [tilespmem:s0], [sflag:$0x3], $0x1000, $0x38;
	[tilespmem:$0x1EE20] =	vst v63  }
0x40: {  	_ =	swait.ge [sflag:s1], $0x1000  }
0x41: {  	[sflag:s1] =	ssyncset.done $0x0  }
0x42: {  	s16 =	rddreg [dreg:$0xf];
	[sflag:s1] =	ssyncadd.s32 $0xFFFFF000  }
0x43: {  	[spmem:s16] =	stream.linear.scatter [tilespmem:s0], [sflag:$0x3], $0x1000, $0x38;
	[tilespmem:$0x1EE20] =	vst v63  }
0x44: {  	_ =	swait.ge [sflag:s1], $0x1000  }
0x45: {  	[sflag:s1] =	ssyncset.done $0x0  }
0x46: {  	[sflag:s1] =	ssyncadd.s32 $0xFFFFF000  }
0x47: {  	[spmem:s19] =	stream.linear.scatter [tilespmem:s0], [sflag:$0x3], $0x1000, $0x38;
	[tilespmem:$0x1EE20] =	vst v63  }
0x48: {  	_ =	swait.ge [sflag:s1], $0x1000  }
0x49: {  	[sflag:s1] =	ssyncset.done $0x0  }
0x4a: {  	[sflag:s1] =	ssyncadd.s32 $0xFFFFF000  }
0x4b: {  	[spmem:s20] =	stream.linear.scatter [tilespmem:s0], [sflag:$0x3], $0x1000, $0x38;
	[tilespmem:$0x1EE20] =	vst v63  }
0x4c: {  	_ =	swait.ge [sflag:s1], $0x1000  }
0x4d: {  	[sflag:s1] =	ssyncset.done $0x0  }
0x4e: {  	[sflag:s1] =	ssyncadd.s32 $0xFFFFF000  }
0x4f: {  	[spmem:s21] =	stream.linear.scatter [tilespmem:s0], [sflag:$0x3], $0x1000, $0x38;
	[tilespmem:$0x1EE20] =	vst v63  }
0x50: {  	_ =	swait.ge [sflag:s1], $0x1000  }
0x51: {  	[sflag:s1] =	ssyncset.done $0x0  }
0x52: {  	[sflag:s1] =	ssyncadd.s32 $0xFFFFF000  }
0x53: {  	[spmem:s22] =	stream.linear.scatter [tilespmem:s0], [sflag:$0x3], $0x1000, $0x38;
	[tilespmem:$0x1EE20] =	vst v63  }
0x54: {  	_ =	swait.ge [sflag:s1], $0x1000  }
0x55: {  	[sflag:s1] =	ssyncset.done $0x0  }
0x56: {  	[sflag:s1] =	ssyncadd.s32 $0xFFFFF000  }
0x57: {  	[spmem:s23] =	stream.linear.scatter [tilespmem:s0], [sflag:$0x3], $0x1000, $0x38;
	[tilespmem:$0x1EE20] =	vst v63  }
0x58: {  	_ =	swait.ge [sflag:s1], $0x1000  }
0x59: {  	[sflag:s1] =	ssyncset.done $0x0  }
0x5a: {  	[sflag:s1] =	ssyncadd.s32 $0xFFFFF000  }
0x5b: {  	[spmem:s26] =	stream.linear.scatter [tilespmem:s0], [sflag:$0x3], $0x1000, $0x38;
	[tilespmem:$0x1EE20] =	vst v63  }
0x5c: {  	_ =	swait.ge [sflag:s1], $0x1000  }
0x5d: {  	[sflag:s1] =	ssyncset.done $0x0  }
0x5e: {  	[sflag:s1] =	ssyncadd.s32 $0xFFFFF000  }
0x5f: {  	[spmem:s28] =	stream.linear.scatter [tilespmem:s0], [sflag:$0x3], $0x1000, $0x38;
	[tilespmem:$0x1EE20] =	vst v63  }
0x60: {  	_ =	swait.ge [sflag:s1], $0x1000  }
0x61: {  	[sflag:s1] =	ssyncset.done $0x0  }
0x62: {  	[sflag:s1] =	ssyncadd.s32 $0xFFFFF000  }
0x63: {  	[spmem:s29] =	stream.linear.scatter [tilespmem:s0], [sflag:$0x3], $0x1000, $0x38;
	[tilespmem:$0x1EE20] =	vst v63  }
0x64: {  	_ =	swait.ge [sflag:s1], $0x1000  }
0x65: {  	[sflag:s1] =	ssyncset.done $0x0  }
0x66: {  	[sflag:s1] =	ssyncadd.s32 $0xFFFFF000  }
0x67: {  	[spmem:s30] =	stream.linear.scatter [tilespmem:s0], [sflag:$0x3], $0x1000, $0x38;
	[tilespmem:$0x1EE20] =	vst v63  }
0x68: {  	_ =	swait.ge [sflag:s1], $0x1000  }
0x69: {  	[sflag:s1] =	ssyncset.done $0x0  }
0x6a: {  	[sflag:s1] =	ssyncadd.s32 $0xFFFFF000  }
0x6b: {  	[spmem:s31] =	stream.linear.scatter [tilespmem:s0], [sflag:$0x3], $0x1000, $0x38;
	[tilespmem:$0x1EE20] =	vst v63  }
0x6c: {  	_ =	swait.ge [sflag:s1], $0x1000  }
0x6d: {  	[sflag:s1] =	ssyncset.done $0x0  }
0x6e: {  	s17 =	rddreg [dreg:$0x4];
	[sflag:s1] =	ssyncadd.s32 $0xFFFFF000  }
0x6f: {  	[tilespmem:s2], [sflag:$0x3] =	stream.linear.gather [hbm4b:s17+s4], $0x2710, $0x38;
	[tilespmem:$0x1EE20] =	vst v63  }
0x70: {  	_ =	swait.ge [sflag:s1], $0x2710  }
0x71: {  	[sflag:s1] =	ssyncset.done $0x0  }
0x72: {  	s14 =	simm.s32 $0x17710;
	s18 =	rddreg [dreg:$0x5];
	[sflag:s1] =	ssyncadd.s32 $0xFFFFD8F0  }
0x73: {  	[tilespmem:s14], [sflag:$0x3] =	stream.linear.gather [hbm4b:s18+s4], $0x2710, $0x38;
	[tilespmem:$0x1EE20] =	vst v63  }
0x74: {  	_ =	swait.ge [sflag:s1], $0x2710  }
0x75: {  	[sflag:s1] =	ssyncset.done $0x0  }
0x76: {  	[sflag:s1] =	ssyncadd.s32 $0xFFFFD8F0  }
0x77: {  	[bflag:$0x0] =	sbarrier.arrive $0xFFFF  }
0x78: {  	[tilespmem:s8], [sflag:$0x1] =	stream.indirect.gather [hbm4b:s5+s7], $0x80, s2, s7, $0xb8;
	[tilespmem:$0x1EE20] =	vst v63  }
0x79: {  	s14 =	simm.s32 $0x15050  }
0x7a: {  	[tilespmem:s9], [sflag:$0x2] =	stream.indirect.gather [hbm4b:s5+s7], $0x80, s14, s7, $0xb8;
	[tilespmem:$0x1EE20] =	vst v63  }
0x7b: {  	_ =	swait.ge [sflag:s10], $0x2800  }
0x7c: {  	[sflag:s10] =	ssyncset.done $0x0  }
0x7d: {  	s16 =	simm.s32 $0x17710;
	[sflag:s10] =	ssyncadd.s32 $0xFFFFD800  }
0x7e: {  	[spmem:s3] =	stream.indirect.scatter.add.f32 [tilespmem:s8], [sflag:$0x3], $0x80, s16, s7, $0xb8;
	[tilespmem:$0x1EE20] =	vst v63  }
0x7f: {  	_ =	swait.ge [sflag:s1], $0x2800  }
0x80: {  	[sflag:s1] =	ssyncset.done $0x0  }
0x81: {  	s17 =	simm.s32 $0x150A0;
	[sflag:s1] =	ssyncadd.s32 $0xFFFFD800  }
0x82: {  	[tilespmem:s8], [sflag:$0x1] =	stream.indirect.gather [hbm4b:s5+s7], $0x80, s17, s7, $0xb8;
	[tilespmem:$0x1EE20] =	vst v63  }
0x83: {  	_ =	swait.ge [sflag:s11], $0x2800  }
0x84: {  	[sflag:s11] =	ssyncset.done $0x0  }
0x85: {  	s18 =	simm.s32 $0x17760;
	[sflag:s11] =	ssyncadd.s32 $0xFFFFD800  }
0x86: {  	[spmem:s3] =	stream.indirect.scatter.add.f32 [tilespmem:s9], [sflag:$0x3], $0x80, s18, s7, $0xb8;
	[tilespmem:$0x1EE20] =	vst v63  }
0x87: {  	_ =	swait.ge [sflag:s1], $0x2800  }
0x88: {  	s6 =	simm.s32 $0x500;
	s14 =	simm.s32 $0xA0;
	[sflag:s1] =	ssyncset.done $0x0  }
.LBB2_2:
0x89: {  	s16 =	sadd.s32 $0x15050, s14  }
0x8a: {  	[sflag:s1] =	ssyncadd.s32 $0xFFFFD800;
	s17 =	smov.u32 s6;
	s18 =	sadd.s32 $0x280, s6  }
0x8b: {  	[tilespmem:s9], [sflag:$0x2] =	stream.indirect.gather [hbm4b:s5+s7], $0x80, s16, s7, $0xb8;
	[tilespmem:$0x1EE20] =	vst v63  }
0x8c: {  	p0 =	sne.s32 s6, $0x9880;
	_ =	swait.ge [sflag:s10], $0x2800  }
0x8d: {  	[sflag:s10] =	ssyncset.done $0x0  }
0x8e: {  	s6 =	sadd.s32 $0x17710, s14;
	[sflag:s10] =	ssyncadd.s32 $0xFFFFD800  }
0x8f: {  	[spmem:s3] =	stream.indirect.scatter.add.f32 [tilespmem:s8], [sflag:$0x3], $0x80, s6, s7, $0xb8;
	[tilespmem:$0x1EE20] =	vst v63  }
0x90: {  	_ =	swait.ge [sflag:s1], $0x2800  }
0x91: {  	[sflag:s1] =	ssyncset.done $0x0  }
0x92: {  	s6 =	sadd.s32 $0x150A0, s14;
	[sflag:s1] =	ssyncadd.s32 $0xFFFFD800  }
0x93: {  	[tilespmem:s8], [sflag:$0x1] =	stream.indirect.gather [hbm4b:s5+s7], $0x80, s6, s7, $0xb8;
	[tilespmem:$0x1EE20] =	vst v63  }
0x94: {  	_ =	swait.ge [sflag:s11], $0x2800  }
.Ltmp0:
0x95: {  	[sflag:s11] =	ssyncset.done $0x0;
	(pc) =	sbr.rel @p0 .LBB2_2-.Ltmp0, $4  }
0x96: {  	s6 =	sadd.s32 $0x17760, s14;
	[sflag:s11] =	ssyncadd.s32 $0xFFFFD800  }
0x97: {  	[spmem:s3] =	stream.indirect.scatter.add.f32 [tilespmem:s9], [sflag:$0x3], $0x80, s6, s7, $0xb8;
	[tilespmem:$0x1EE20] =	vst v63  }
0x98: {  	_ =	swait.ge [sflag:s1], $0x2800  }
0x99: {  	s14 =	sshra.s32 s17, $0x2;
	s6 =	smov.u32 s18;
	[sflag:s1] =	ssyncset.done $0x0  }
0x9a: {  	s6 =	sadd.s32 $0x15050, s14;
	[sflag:s1] =	ssyncadd.s32 $0xFFFFD800  }
0x9b: {  	[tilespmem:s9], [sflag:$0x2] =	stream.indirect.gather [hbm4b:s5+s7], $0x80, s6, s7, $0xb8;
	[tilespmem:$0x1EE20] =	vst v63  }
0x9c: {  	_ =	swait.ge [sflag:s10], $0x2800  }
0x9d: {  	[sflag:s10] =	ssyncset.done $0x0  }
0x9e: {  	s17 =	sadd.s32 $0x17710, s14;
	[sflag:s10] =	ssyncadd.s32 $0xFFFFD800  }
0x9f: {  	[spmem:s3] =	stream.indirect.scatter.add.f32 [tilespmem:s8], [sflag:$0x3], $0x80, s17, s7, $0xb8;
	[tilespmem:$0x1EE20] =	vst v63  }
0xa0: {  	_ =	swait.ge [sflag:s1], $0x2800  }
0xa1: {  	[sflag:s1] =	ssyncset.done $0x0  }
0xa2: {  	s18 =	sadd.s32 $0x150A0, s14;
	[sflag:s1] =	ssyncadd.s32 $0xFFFFD800  }
0xa3: {  	[tilespmem:s8], [sflag:$0x1] =	stream.indirect.gather [hbm4b:s5+s7], $0x80, s18, s7, $0xb8;
	[tilespmem:$0x1EE20] =	vst v63  }
0xa4: {  	_ =	swait.ge [sflag:s11], $0x2800  }
0xa5: {  	[sflag:s11] =	ssyncset.done $0x0  }
0xa6: {  	s16 =	sadd.s32 $0x17760, s14;
	[sflag:s11] =	ssyncadd.s32 $0xFFFFD800  }
0xa7: {  	[spmem:s3] =	stream.indirect.scatter.add.f32 [tilespmem:s9], [sflag:$0x3], $0x80, s16, s7, $0xb8;
	[tilespmem:$0x1EE20] =	vst v63  }
0xa8: {  	_ =	swait.ge [sflag:s1], $0x2800  }
0xa9: {  	[sflag:s1] =	ssyncset.done $0x0  }
0xaa: {  	[sflag:s1] =	ssyncadd.s32 $0xFFFFD800  }
0xab: {  	_ =	swait.ge [sflag:s10], $0x2800  }
0xac: {  	[sflag:s10] =	ssyncset.done $0x0  }
0xad: {  	s17 =	simm.s32 $0x19DD0;
	[sflag:s10] =	ssyncadd.s32 $0xFFFFD800  }
0xae: {  	[spmem:s3] =	stream.indirect.scatter.add.f32 [tilespmem:s8], [sflag:$0x3], $0x80, s17, s7, $0xb8;
	[tilespmem:$0x1EE20] =	vst v63  }
0xaf: {  	_ =	swait.ge [sflag:s1], $0x2800  }
0xb0: {  	[sflag:s1] =	ssyncset.done $0x0  }
0xb1: {  	[sflag:s1] =	ssyncadd.s32 $0xFFFFD800  }
0xb2: {  	[bflag:$0x0] =	sbarrier.arrive $0xFFFF  }
0xb3: {  	[tilespmem:s0], [sflag:$0x4] =	stream.linear.gather [spmem:s15], $0x1000, $0x38;
	[tilespmem:$0x1EE20] =	vst v63  }
0xb4: {  	_ =	swait.ge [sflag:s12], $0x1000  }
0xb5: {  	[sflag:s12] =	ssyncset.done $0x0  }
0xb6: {  	s18 =	sadd.s32 $0x0, s24;
	[sflag:s12] =	ssyncadd.s32 $0xFFFFF000  }
0xb7: {  	[hbm4b:s18+s4] =	stream.linear.scatter [tilespmem:s0], [sflag:s25], $0x1000, $0x38;
	[tilespmem:$0x1EE20] =	vst v63  }
0xb8: {  	_ =	swait.ge [sflag:s25], $0x1000  }
0xb9: {  	s14 =	simm.s32 $0x200;
	s6 =	smov.u32 s15;
	[sflag:s25] =	ssyncset.done $0x0  }
.LBB2_4:
0xba: {  	p0 =	sne.s32 s14, $0x2600;
	[sflag:s25] =	ssyncadd.s32 $0xFFFFF000;
	s6 =	sadd.s32 $0x1000, s6  }
0xbb: {  	[tilespmem:s0], [sflag:$0x4] =	stream.linear.gather [spmem:s6], $0x1000, $0x38;
	[tilespmem:$0x1EE20] =	vst v63  }
0xbc: {  	s16 =	smov.u32 s14;
	s14 =	sadd.s32 $0x200, s14;
	_ =	swait.ge [sflag:s12], $0x1000  }
.Ltmp1:
0xbd: {  	[sflag:s12] =	ssyncset.done $0x0;
	(pc) =	sbr.rel @p0 .LBB2_4-.Ltmp1, $4  }
0xbe: {  	s16 =	sadd.s32 s16, s24;
	[sflag:s12] =	ssyncadd.s32 $0xFFFFF000  }
0xbf: {  	[hbm4b:s16+s4] =	stream.linear.scatter [tilespmem:s0], [sflag:s25], $0x1000, $0x38;
	[tilespmem:$0x1EE20] =	vst v63  }
0xc0: {  	_ =	swait.ge [sflag:s25], $0x1000  }
0xc1: {  	[sflag:s25] =	ssyncset.done $0x0  }
0xc2: {  	s13 =	sadd.s32 $0x1, s13;
	s6 =	rddreg [dreg:$0x6]  }
0xc3: {  	p0 =	sne.s32 s13, s6  }
.Ltmp2:
0xc4: {  	_ = 	snop;
	(pc) =	sbr.rel @p0 .LBB2_1-.Ltmp2, $2  }
0xc5: {  	_ =	sdelay $0x2  }
0xc6: {  	[sflag:s25] =	ssyncadd.s32 $0xFFFFF000  }
0xc7: {  	_ =	sfence.sel $0x180000  }
0xc8: {  	[bflag:$0x0] =	sbarrier.arrive $0xFFFF  }
0xc9: {  	_ =	strace $0x9000004D  }
0xca: {  	s0 =	stileid.u32;
	[bflag:$0x2] =	sbarrier.arrive $0xFFFF  }
0xcb: {  	p0 =	sne.s32 s0, $0x0;
	s0 =	rddreg [dreg:$0x3]  }
0xcc: {  	s0 =	sadd.s32 @!p0 $0x100000, s0  }
0xcd: {  	[sflag:s0] =	ssyncadd.tile.s32 @!p0 $0x1;
	_ =	shalt  }
.Lfunc_end2:
_tile_overlayer_lowered:
.L_overlay_start_2:
0xce: {  	(tag) =	ssettag $0x2  }
0xcf: {  	s0 =	rddreg [dreg:$0x0];
	s2 =	stileid.u32  }
0xd0: {  	s1 =	rddreg [dreg:$0x1];
	p0 =	sne.s32 s2, $0x0  }
0xd1: {  	s3 =	rddreg [dreg:$0x2];
	[bflag:$0x3] =	sbarrier.arrive $0xFFFF;
	s2 =	simm.s32 @!p0 $0x1C03  }
0xd2: {  	[timem:s3], [sflag:s2] =	dma.local @!p0 [hbm:s0], s1  }
0xd3: {  	s0 =	simm.s32 @!p0 $0x3  }
0xd4: {  	_ =	swait.ge @!p0 [sflag:s0], s1  }
0xd5: {  	s1 =	ssub.s32 @!p0 $0x0, s1;
	[sflag:s0] =	ssyncset.done @!p0 $0x0  }
0xd6: {  	[sflag:s0] =	ssyncadd.s32 @!p0 s1  }
0xd7: {  	[bflag:$0x3] =	sbarrier.arrive $0xFFFF  }
0xd8: {  	_ =	shalt  }

// kernel: kernel.8.cloned.1.call-start
scs
__scs_entry_jumppad:
0x0: {  	(pc) =	sbr.rel $0x88, $3  }
0x1: {  	(tag) =	ssettag $0x0;
	lr =	simm.s32 $0x1  }
0x2: {  	[smem:$0x3F94] =	sst lr;
	_ =	strace $0xD0000000  }
0x3: {  	_ = 	snop  }
0x4: {  	_ = 	snop  }
0x5: {  	_ = 	snop  }
0x6: {  	_ = 	snop  }
0x7: {  	_ = 	snop  }
__scs_overlays_trampoline_lowered:
0x8: {  	[smem:$0x3FA3] =	sst s0  }
0x9: {  	[smem:$0x3FA4] =	sst s1  }
0xa: {  	[smem:$0x3FA5] =	sst s2  }
0xb: {  	[smem:$0x3FA6] =	sst s3  }
0xc: {  	[smem:$0x3FA7] =	sst s4  }
0xd: {  	[smem:$0x3FA8] =	sst s5  }
0xe: {  	[smem:$0x3FA9] =	sst s6  }
0xf: {  	[smem:$0x3FAA] =	sst s7  }
0x10: {  	[smem:$0x3FAB] =	sst s8  }
0x11: {  	[smem:$0x3FAC] =	sst s9;
	s0 =	simm.s32 @!p0 $0x0  }
0x12: {  	s1 =	sld [smem:$0x3F92];
	s0 =	simm.s32 @p0 $0x1  }
0x13: {  	[smem:$0x3FAD] =	sst s0;
	s0 =	simm.s32 @!p1 $0x0  }
0x14: {  	s2 =	sld [smem:$0x3F91];
	s0 =	simm.s32 @p1 $0x1  }
0x15: {  	[smem:$0x3FAE] =	sst s0;
	s0 =	simm.s32 @!p2 $0x0  }
0x16: {  	s3 =	sld [smem:$0x3FDB];
	s0 =	simm.s32 @p2 $0x1  }
0x17: {  	s4 =	simm.s32 $0x1BF5;
	[smem:$0x3FB0] =	sst s0  }
0x18: {  	s0 =	sld [smem:$0x3F93];
	_ =	swait.ge [sflag:s4], $0x0  }
0x19: {  	s7 =	sld [smem:$0x3F94]  }
0x1a: {  	s8 =	sadd.s32 $0xFFFFE003, lr  }
0x1b: {  	s9 =	sadd.s32 $0xFFFFFEF7, lr;
	s5 =	simm.s32 $0xFFFFFFFF;
	p2 =	slt.u32 s8, $0xFFFFF086  }
0x1c: {  	p1 =	slt.u32 s9, $0xF7A;
	s5 =	simm.s32 @!p2 $0x0  }
0x1d: {  	s5 =	simm.s32 @p1 $0x1;
	p0 =	seq.s32 s7, s2  }
0x1e: {  	s7 =	smul.u32 @!p0 $0xF7A, s2;
	p2 =	seq.s32 @!p0 s5, $0x0  }
0x1f: {  	s9 =	smul.u32 $0xF7A, s1;
	s8 =	simm.s32 @!p0 $0x1BF5;
	p2 =	por !p2, p0  }
0x20: {  	[sflag:s8] =	ssyncset.s32 @!p0 $0xFFFFF086;
	s6 =	sadd.s32 @!p0 s3, s7;
	s7 =	simm.s32 @!p0 $0x108  }
0x21: {  	s3 =	sadd.s32 s3, s9;
	s6 =	sadd.s32 @!p0 $0x88, s6;
	s7 =	simm.s32 @p2 $0x1082  }
0x22: {  	[simem:s7], [sflag:s8] =	dma.local @!p0 [hbm:s6], $0xF7A  }
0x23: {  	s9 =	sor.u32 $0xD0000000, s2;
	s6 =	simm.s32 $0x108;
	_ =	swait.ge @!p0 [sflag:s8], $0x0  }
0x24: {  	s3 =	sadd.s32 $0x88, s3;
	s6 =	simm.s32 @!p1 $0x1082;
	[sflag:s4] =	ssyncset.s32 $0xFFFFF086  }
0x25: {  	[simem:s6], [sflag:s4] =	dma.local [hbm:s3], $0xF7A  }
0x26: {  	[smem:$0x3F94] =	sst s1;
	(tag) =	ssettag s2;
	_ =	strace s9  }
0x27: {  	s1 =	sld [smem:$0x3FA4]  }
0x28: {  	s2 =	sld [smem:$0x3FA5]  }
0x29: {  	s4 =	sld [smem:$0x3FA7]  }
0x2a: {  	p0 =	seq.s32 s5, $0x0;
	s5 =	sld [smem:$0x3FA8]  }
0x2b: {  	s6 =	sld [smem:$0x3FA9]  }
0x2c: {  	s7 =	sld [smem:$0x3FAA]  }
0x2d: {  	s3 =	simm.s32 $0x108;
	s8 =	sld [smem:$0x3FAB]  }
0x2e: {  	s3 =	simm.s32 @!p0 $0x1082;
	s9 =	sld [smem:$0x3FAC]  }
0x2f: {  	lr =	sadd.s32 s0, s3;
	s0 =	sld [smem:$0x3FA3]  }
0x30: {  	s3 =	sld [smem:$0x3FA6]  }
0x31: {  	[smem:$0x3FAF] =	sst s10  }
0x32: {  	s10 =	sld [smem:$0x3FAD];
	_ =	sdelay $0x3  }
0x33: {  	p0 =	seq.s32 s10, $0x1;
	s10 =	sld [smem:$0x3FAF];
	_ =	sdelay $0x3  }
0x34: {  	[smem:$0x3FAF] =	sst s10  }
0x35: {  	s10 =	sld [smem:$0x3FAE];
	_ =	sdelay $0x3  }
0x36: {  	p1 =	seq.s32 s10, $0x1;
	s10 =	sld [smem:$0x3FAF];
	_ =	sdelay $0x3  }
0x37: {  	[smem:$0x3FAF] =	sst s10  }
0x38: {  	s10 =	sld [smem:$0x3FB0]  }
0x39: {  	_ = 	snop;
	(pc) =	sbr.ind lr, $3  }
0x3a: {  	_ = 	snop  }
0x3b: {  	_ = 	snop  }
0x3c: {  	p2 =	seq.s32 s10, $0x1;
	s10 =	sld [smem:$0x3FAF]  }
0x3d: {  	_ =	shalt  }
0x3e: {  	_ =	shalt  }
0x3f: {  	_ =	shalt  }
0x40: {  	_ =	shalt  }
0x41: {  	_ =	shalt  }
0x42: {  	_ =	shalt  }
0x43: {  	_ =	shalt  }
0x44: {  	_ =	shalt  }
0x45: {  	_ =	shalt  }
0x46: {  	_ =	shalt  }
0x47: {  	_ =	shalt  }
0x48: {  	_ =	shalt  }
0x49: {  	_ =	shalt  }
0x4a: {  	_ =	shalt  }
0x4b: {  	_ =	shalt  }
0x4c: {  	_ =	shalt  }
0x4d: {  	_ =	shalt  }
0x4e: {  	_ =	shalt  }
0x4f: {  	_ =	shalt  }
0x50: {  	_ =	shalt  }
0x51: {  	_ =	shalt  }
0x52: {  	_ =	shalt  }
0x53: {  	_ =	shalt  }
0x54: {  	_ =	shalt  }
0x55: {  	_ =	shalt  }
0x56: {  	_ =	shalt  }
0x57: {  	_ =	shalt  }
0x58: {  	_ =	shalt  }
0x59: {  	_ =	shalt  }
0x5a: {  	_ =	shalt  }
0x5b: {  	_ =	shalt  }
0x5c: {  	_ =	shalt  }
0x5d: {  	_ =	shalt  }
0x5e: {  	_ =	shalt  }
0x5f: {  	_ =	shalt  }
0x60: {  	_ =	shalt  }
0x61: {  	_ =	shalt  }
0x62: {  	_ =	shalt  }
0x63: {  	_ =	shalt  }
0x64: {  	_ =	shalt  }
0x65: {  	_ =	shalt  }
0x66: {  	_ =	shalt  }
0x67: {  	_ =	shalt  }
0x68: {  	_ =	shalt  }
0x69: {  	_ =	shalt  }
0x6a: {  	_ =	shalt  }
0x6b: {  	_ =	shalt  }
0x6c: {  	_ =	shalt  }
0x6d: {  	_ =	shalt  }
0x6e: {  	_ =	shalt  }
0x6f: {  	_ =	shalt  }
0x70: {  	_ =	shalt  }
0x71: {  	_ =	shalt  }
0x72: {  	_ =	shalt  }
0x73: {  	_ =	shalt  }
0x74: {  	_ =	shalt  }
0x75: {  	_ =	shalt  }
0x76: {  	_ =	shalt  }
0x77: {  	_ =	shalt  }
0x78: {  	_ =	shalt  }
0x79: {  	_ =	shalt  }
0x7a: {  	_ =	shalt  }
0x7b: {  	_ =	shalt  }
0x7c: {  	_ =	shalt  }
0x7d: {  	_ =	shalt  }
0x7e: {  	_ =	shalt  }
0x7f: {  	_ =	shalt  }
0x80: {  	_ =	shalt  }
0x81: {  	_ =	shalt  }
0x82: {  	_ =	shalt  }
0x83: {  	_ =	shalt  }
0x84: {  	_ =	shalt  }
0x85: {  	_ =	shalt  }
0x86: {  	_ =	shalt  }
0x87: {  	_ =	shalt  }
.Lfunc_end0:
.L_simem_size_0:
called_computation_lowered:
.L_overlay_start_0:
0x88: {  	s2 =	sld [smem:$0x3FD9]  }
0x89: {  	s3 =	sld [smem:$0x3FFE];
	_ =	sdelay $0x1  }
0x8a: {  	s1 =	srdreg.scid  }
0x8b: {  	s0 =	sand.u32 $0x1, s1  }
0x8c: {  	s17 =	sshll.u32 s0, $0xA;
	s2 =	sadd.s32 s3, s2  }
0x8d: {  	s2 =	sadd.s32 s2, s17  }
0x8e: {  	[smem:$0x3FBB] =	sst s2  }
0x8f: {  	_ = 	snop  }
0x90: {  	s2 =	sld [smem:$0x3FD0];
	(tm) =	ssettm $0x1  }
0x91: {  	s18 =	sld [smem:$0x3FFB];
	_ =	sdelay $0x3  }
0x92: {  	_ =	strace s18  }
0x93: {  	s3 =	sld [smem:$0x3FFC];
	_ =	sdelay $0x3  }
0x94: {  	_ =	strace s3  }
0x95: {  	s3 =	sld [smem:$0x3FFD];
	_ =	sdelay $0x3  }
0x96: {  	_ =	strace s3  }
0x97: {  	_ =	strace $0x8FFFFFFF  }
0x98: {  	s19 =	sld [smem:$0x3FDB];
	_ =	sdelay $0x1  }
0x99: {  	s4 =	simm.s32 $_scs_section_size  }
0x9a: {  	s5 =	simm.s32 $_size__tile_overlayer_lowered;
	s6 =	simm.s32 $_tile_overlayer_lowered  }
0x9b: {  	s22 =	simm.s32 $0x1BFF;
	s21 =	sshll.u32 s6, $0x1;
	s3 =	sadd.s32 s4, s19  }
0x9c: {  	s7 =	simm.s32 $0x0;
	s20 =	sshll.u32 s5, $0x1;
	s5 =	sadd.s32 s21, s3  }
0x9d: {  	[timem:s7], [sflag:s22] =	dma.local [hbm:s5], s20  }
0x9e: {  	_ =	swait.ge [sflag:s22], s20  }
0x9f: {  	s4 =	ssub.s32 $0x0, s20;
	[sflag:s22] =	ssyncset.done $0x0  }
0xa0: {  	[sflag:s22] =	ssyncadd.s32 s4;
	_ =	sdelay $0x1  }
0xa1: {  	s23 =	simm.s32 $0x1B8B  }
0xa2: {  	_ =	swait.ge [sflag:s23], $0x1  }
0xa3: {  	[sflag:s23] =	ssyncset.done $0x0  }
0xa4: {  	s25 =	simm.s32 $0x1B8E;
	s24 =	sld [smem:$0x3FFE];
	[sflag:s23] =	ssyncadd.s32 $0xFFFFFFFF  }
0xa5: {  	s26 =	simm.s32 $execute0_lowered;
	[smem:$0x3FD2] =	sst s25  }
0xa6: {  	s5 =	sshll.u32 s26, $0x1;
	_ =	strace $0x80000046;
	[dreg:$0x1] =	wrdreg $0xFFFFFFFF  }
0xa7: {  	s28 =	simm.s32 $_size_execute0_lowered;
	s3 =	sadd.s32 s3, s5;
	[dreg:$0x0] =	wrdreg $0x0  }
0xa8: {  	s5 =	sshll.u32 s28, $0x1;
	[dreg:$0x2] =	wrdreg s3  }
0xa9: {  	[dreg:$0x3] =	wrdreg s5  }
0xaa: {  	[dreg:$0x4] =	wrdreg $0xC0  }
0xab: {  	_ =	task [dreg:s7], $0x5FFFF  }
0xac: {  	[dreg:$0x1] =	wrdreg $0xFFFFFFFF  }
0xad: {  	[dreg:$0x0] =	wrdreg $0x60  }
0xae: {  	[dreg:$0x2] =	wrdreg s24  }
0xaf: {  	[dreg:$0x3] =	wrdreg s2  }
0xb0: {  	[dreg:$0x4] =	wrdreg $0x9  }
0xb1: {  	_ =	task.clear_ibuf [dreg:s7], $0x5FFFF;
	_ =	strace $0x90000046  }
0xb2: {  	s29 =	simm.s32 $0x9;
	_ =	strace $0x80000048  }
0xb3: {  	_ =	swait.ge [sflag:s29], $0x1  }
0xb4: {  	[sflag:s29] =	ssyncadd.s32 $0xFFFFFFFF  }
0xb5: {  	_ =	strace $0x90000048  }
0xb6: {  	_ =	sfence  }
0xb7: {  	s30 =	sld [smem:$0x0];
	_ =	sdelay $0x2  }
0xb8: {  	s31 =	sshll.u32 s1, $0xD;
	s1 =	sshrl.u32 s1, $0x2  }
0xb9: {  	s3 =	sand.u32 $0x4000, s31;
	s1 =	sadd.s32 s1, s30  }
0xba: {  	s0 =	sor.u32 s3, s0;
	s1 =	sshll.u32 s1, $0x11  }
0xbb: {  	s0 =	sor.u32 s1, s0  }
0xbc: {  	s0 =	sadd.s32 $0x8F2B, s0  }
0xbd: {  	[sflag:s0] =	ssyncadd.remote.s32 $0x1  }
0xbe: {  	_ =	sfence.sel $0xFFFF  }
0xbf: {  	[dreg:$0x0] =	wrdreg $0xFFFFFFFF;
	(pc) =	sbr.abs _section_cstart, $3  }
0xc0: {  	[dreg:$0x1] =	wrdreg $0xFFFFFFFF  }
0xc1: {  	_ =	task.clear_ibuf [dreg:s7], $0x2FFFF;
	_ =	strace $0x9FFFFFFF  }
0xc2: {  	(tm) =	ssettm $0x7FFFFFFF  }
0xc3: {  	_ =	shalt  }
tec
execute0_lowered:
.L_overlay_start_1:
0x0: {  	(tag) =	ssettag $0x1  }
0x1: {  	s3 =	rddreg [dreg:$0x0]  }
0x2: {  	s1 =	srdreg.scid;
	s0 =	stileid.u32  }
0x3: {  	s4 =	rddreg [dreg:$0x1];
	s9 =	simm.s32 $0x400;
	s10 =	simm.s32 $0x0  }
0x4: {  	s5 =	sand.u32 $0x1, s1;
	s2 =	sshll.u32 s0, $0x1;
	s1 =	rddreg [dreg:$0x2]  }
0x5: {  	s7 =	sshrl.u32 s0, $0x2;
	s6 =	sor.u32 s5, s2;
	s2 =	simm.s32 $0x0  }
0x6: {  	s7 =	smul.u32 $0x14000, s7;
	s5 =	ssub.s32 $0x2, s5;
	s8 =	sshll.u32 s6, $0x7  }
0x7: {  	[smem:$0x7FF] =	sst s2;
	s6 =	smul.u32 $0x4E2, s6;
	s31 =	sshrl.u32 s5, $0x1  }
0x8: {  	s8 =	sand.u32 $0x380, s8;
	_ =	strace $0x80000047;
	s5 =	ssub.s32 s5, s31  }
0x9: {  	s7 =	sor.u32 s7, s8;
	s3 =	sadd.s32 s6, s3;
	s5 =	smax.u32 s5, $0x1  }
0xa: {  	s6 =	simm.s32 $0x2800;
	s8 =	simm.s32 $0x80;
	s7 =	sshrl.u32 s7, $0x3  }
0xb: {  	v0 =	vimm.f32 $0.0e+00;
	v1 =	vimm.f32 $1.000000000e+00;
	s3 =	sadd.s32 $0x3C00, s3;
	s4 =	sadd.s32 s4, s7;
	s7 =	simm.s32 $0x1  }
.LBB2_1:
0xc: {  	s11 =	simm.s32 $0x40;
	s12 =	simm.s32 $0x0  }
.LBB2_2:
0xd: {  	p0 =	sne.s32 s11, $0x9FC0;
	[tilespmem:s12+$0x0] =	vst v0;
	s12 =	smov.u32 s11;
	s11 =	sadd.s32 $0x40, s11  }
.Ltmp0:
0xe: {  	(pc) =	sbr.rel @p0 .LBB2_2-.Ltmp0, $2  }
0xf: {  	_ =	sdelay $0x2  }
0x10: {  	s12 =	sshra.s32 s12, $0x2  }
0x11: {  	[tilespmem:s12+$0x0] =	vst v0;
	s11 =	simm.s32 $0x0  }
0x12: {  	[tilespmem:s6], [sflag:$0x1] =	stream.linear.gather [hbm4b:s3+s11], $0x2710, $0x38;
	[tilespmem:$0x4F80] =	vst v63  }
0x13: {  	_ =	swait.ge [sflag:s7], $0x2710  }
0x14: {  	[sflag:s7] =	ssyncset.done $0x0  }
0x15: {  	s12 =	simm.s32 $0x0;
	s11 =	simm.s32 $0x40;
	[sflag:s7] =	ssyncadd.s32 $0xFFFFD8F0  }
.LBB2_4:
0x16: {  	p0 =	sne.s32 s11, $0x9C00;
	v2 =	vld [tilespmem:s12+$0x2800];
	_ =	sdelay $0x3  }
.Ltmp1:
0x17: {  	(pc) =	sbr.rel @p0 .LBB2_4-.Ltmp1, $2  }
0x18: {  	_ =	sdelay $0x2  }
0x19: {  	s12 =	sshra.s32 s11, $0x2;
	s11 =	sadd.s32 $0x40, s11;
	[tilespmem:v2+s2+$0x0] =	vst.idx.add.f32.msk $0xffff, v1  }
0x1a: {  	v2 =	vld [tilespmem:s12+$0x2800];
	_ =	sdelay $0x5  }
0x1b: {  	s10 =	sadd.s32 $0x1, s10  }
0x1c: {  	p0 =	sne.s32 s10, s5  }
.Ltmp2:
0x1d: {  	[tilespmem:v2+s2+$0x0] =	vst.idx.add.f32.msk $0xffff, v1;
	(pc) =	sbr.rel @p0 .LBB2_1-.Ltmp2, $4  }
0x1e: {  	[hbm4b:s4+s8] =	stream.strided.scatter [tilespmem:s2], [sflag:$0x1], $0x2800, s9, s8, $0x38;
	[tilespmem:$0x4F80] =	vst v63  }
0x1f: {  	_ =	swait.ge [sflag:s7], $0x2800  }
0x20: {  	[sflag:s7] =	ssyncset.done $0x0  }
0x21: {  	[sflag:s7] =	ssyncadd.s32 $0xFFFFD800  }
0x22: {  	_ =	sfence.sel $0x180000  }
0x23: {  	[bflag:$0x0] =	sbarrier.arrive $0xFFFF  }
0x24: {  	p0 =	sne.s32 s0, $0x0;
	_ =	strace $0x90000047  }
0x25: {  	s0 =	sadd.s32 @!p0 $0x100000, s1;
	[bflag:$0x2] =	sbarrier.arrive $0xFFFF  }
0x26: {  	[sflag:s0] =	ssyncadd.tile.s32 @!p0 $0x1;
	_ =	shalt  }
.Lfunc_end2:
_tile_overlayer_lowered:
.L_overlay_start_2:
0x27: {  	(tag) =	ssettag $0x2  }
0x28: {  	s0 =	rddreg [dreg:$0x0];
	s2 =	stileid.u32  }
0x29: {  	s1 =	rddreg [dreg:$0x1];
	p0 =	sne.s32 s2, $0x0  }
0x2a: {  	s3 =	rddreg [dreg:$0x2];
	[bflag:$0x3] =	sbarrier.arrive $0xFFFF;
	s2 =	simm.s32 @!p0 $0x1C01  }
0x2b: {  	[timem:s3], [sflag:s2] =	dma.local @!p0 [hbm:s0], s1  }
0x2c: {  	s0 =	simm.s32 @!p0 $0x1  }
0x2d: {  	_ =	swait.ge @!p0 [sflag:s0], s1  }
0x2e: {  	s1 =	ssub.s32 @!p0 $0x0, s1;
	[sflag:s0] =	ssyncset.done @!p0 $0x0  }
0x2f: {  	[sflag:s0] =	ssyncadd.s32 @!p0 s1  }
0x30: {  	[bflag:$0x3] =	sbarrier.arrive $0xFFFF  }
0x31: {  	_ =	shalt  }

</sc_bundles>
